<compile_context>
chip_gen: v7x
topology: tpu7x:2x2x1
jax: 0.10.2.dev20260603
libtpu: 0.0.44.dev20260713+nightly
codegen_flags: <defaults>
</compile_context>

<pallas_src>
import jax
import jax.numpy as jnp
from jax import lax
from jax.experimental import pallas as pl
from jax.experimental.pallas import tpu as pltpu
import jax.experimental.pallas.tpu_sc as plsc

C = 8192
B = 4
T = 8
N = B * T
L = 16


def _sc_body(w_hbm, x_hbm, out_hbm, x_v, idx0_v, idx1_v, row0_v, row1_v,
             sem0, sem1, semw):
    wid = lax.axis_index("s")
    lanes = lax.iota(jnp.int32, L)
    lane0 = lanes == 0
    zeros = jnp.zeros((L,), jnp.int32)

    pltpu.sync_copy(x_hbm, x_v)
    xi0 = plsc.load_gather(x_v, [jnp.full((L,), 2 * wid, jnp.int32)])
    xi1 = plsc.load_gather(x_v, [jnp.full((L,), 2 * wid + 1, jnp.int32)])
    plsc.store_scatter(idx0_v, [zeros], xi0, mask=lane0)
    plsc.store_scatter(idx1_v, [zeros], xi1, mask=lane0)

    g0 = pltpu.async_copy(w_hbm.at[idx0_v], row0_v, sem0)
    g1 = pltpu.async_copy(w_hbm.at[idx1_v], row1_v, sem1)
    g0.wait()
    w0 = pltpu.async_copy(row0_v, out_hbm.at[pl.ds(2 * wid, 1)], semw)
    g1.wait()
    w1 = pltpu.async_copy(row1_v, out_hbm.at[pl.ds(2 * wid + 1, 1)], semw)
    w0.wait()
    w1.wait()


_sc_gather = pl.kernel(
    _sc_body,
    out_type=jax.ShapeDtypeStruct((N, C), jnp.float32),
    mesh=plsc.VectorSubcoreMesh(core_axis_name="c", subcore_axis_name="s",
                                num_cores=1),
    compiler_params=pltpu.CompilerParams(needs_layout_passes=False),
    scratch_types=[
        pltpu.VMEM((N,), jnp.int32),
        pltpu.VMEM((1,), jnp.int32),
        pltpu.VMEM((1,), jnp.int32),
        pltpu.VMEM((1, C), jnp.float32),
        pltpu.VMEM((1, C), jnp.float32),
        pltpu.SemaphoreType.DMA,
        pltpu.SemaphoreType.DMA,
        pltpu.SemaphoreType.DMA,
    ],
)


def _tc_loss_body(xs_ref, y_ref, w_any, loss_ref, rows_v, sem):
    for i in range(N):
        pltpu.make_async_copy(
            w_any.at[pl.ds(xs_ref[i], 1)], rows_v.at[pl.ds(i, 1)], sem
        ).start()
    for i in range(N):
        pltpu.make_async_copy(
            w_any.at[pl.ds(0, 1)], rows_v.at[pl.ds(i, 1)], sem
        ).wait()

    l = rows_v[...].reshape(B, T, C)
    m = jnp.max(l, axis=2, keepdims=True)
    s = jnp.sum(jnp.exp(l - m), axis=2, keepdims=True)
    cols = lax.broadcasted_iota(jnp.int32, l.shape, 2)
    t = jnp.sum(jnp.where(cols == y_ref[...][:, :, None], l, 0.0),
                axis=2, keepdims=True)
    nll = jnp.log(s) + m - t
    loss_ref[...] = jnp.sum(nll, axis=(0, 1), keepdims=True)[:, :, 0] / N


_tc_loss = pl.pallas_call(
    _tc_loss_body,
    grid_spec=pltpu.PrefetchScalarGridSpec(
        num_scalar_prefetch=1,
        in_specs=[
            pl.BlockSpec(memory_space=pltpu.VMEM),
            pl.BlockSpec(memory_space=pl.ANY),
        ],
        out_specs=pl.BlockSpec(memory_space=pltpu.VMEM),
        scratch_shapes=[
            pltpu.VMEM((N, C), jnp.float32),
            pltpu.SemaphoreType.DMA,
        ],
    ),
    out_shape=jax.ShapeDtypeStruct((1, 1), jnp.float32),
)


def kernel(x, y, W):
    logits = _sc_gather(W, x.reshape(N))
    loss = _tc_loss(x.reshape(N), y, W)
    return logits, loss[0, 0]

# --- scband reference (transcript-rebuilt; emitter-appended) ---
"""Pipeline reference for scband-bigram-language-model-47854525612557 (READ-ONLY COPY).

The authoritative reference and input builder live on the scoring server;
editing this copy changes nothing except your own understanding.
"""

import jax, jax.numpy as jnp
import numpy as np

BATCH = 4
BLOCK = 8
C = 8192

def setup_inputs(seed: int = 0) -> dict:
    key = jax.random.key(seed)
    kx, ky, kw = jax.random.split(key, 3)
    x = jax.random.randint(kx, (BATCH, BLOCK), 0, C, dtype=jnp.int32)
    y = jax.random.randint(ky, (BATCH, BLOCK), 0, C, dtype=jnp.int32)
    # nn.Embedding default init: N(0, 1)
    W = jax.random.normal(kw, (C, C), dtype=jnp.float32)
    return {"x": x, "y": y, "W": W}

def reference(x, y, W):
    # embedding lookup (gather rows)
    logits = jnp.take(W, x, axis=0)            # [B, T, C]
    B, T, Cv = logits.shape
    logits = logits.reshape(B * T, Cv)          # [B*T, C]
    targets = y.reshape(B * T)                  # [B*T]
    # cross entropy with mean reduction (matches F.cross_entropy)
    logp = jax.nn.log_softmax(logits, axis=-1)
    nll = -jnp.take_along_axis(logp, targets[:, None].astype(jnp.int32), axis=1)[:, 0]
    loss = jnp.mean(nll)
    return (logits, loss)

if __name__ == "__main__":
    import jax
    _d = setup_inputs()
    print(jax.jit(kernel)(*tuple(_d.values())))

</pallas_src>

<mosaic_0001>
#map = affine_map<(d0, d1) -> (0, 0)>
#map1 = affine_map<(d0, d1) -> (0)>
module attributes {stable_mosaic.version = 14 : i64} {
  func.func @_sc_body(%arg0: i32, %arg1: i32, %arg2: memref<8192x8192xf32, #tpu.memory_space<hbm>>, %arg3: memref<32xi32, #tpu.memory_space<hbm>>, %arg4: memref<32x8192xf32, #tpu.memory_space<hbm>>, %arg5: memref<32xi32, #tpu.memory_space<vmem>>, %arg6: memref<1xi32, #tpu.memory_space<vmem>>, %arg7: memref<1xi32, #tpu.memory_space<vmem>>, %arg8: memref<1x8192xf32, #tpu.memory_space<vmem>>, %arg9: memref<1x8192xf32, #tpu.memory_space<vmem>>, %arg10: memref<!tpu.dma_semaphore, #tpu.memory_space<semaphore_mem>>, %arg11: memref<!tpu.dma_semaphore, #tpu.memory_space<semaphore_mem>>, %arg12: memref<!tpu.dma_semaphore, #tpu.memory_space<semaphore_mem>>) attributes {dimension_semantics = [#tpu.dimension_semantics<core_parallel>, #tpu.dimension_semantics<subcore_parallel>], iteration_bounds = array<i64: 1, 16>, scalar_prefetch = 0 : i64, scratch_operands = 8 : i64, tpu.core_type = #tpu.core_type<sc_vector_subcore>, window_params = [{transform_indices = #map}, {transform_indices = #map1}, {transform_indices = #map}]} {
    %iota3A = tpu.iota {dimensions = array<i32: 0>} : vector<16xi32>
    %eq3A = arith.constant 0 : i32
    %eq3A_0 = vector.broadcast %eq3A : i32 to vector<16xi32>
    %eq3A_1 = arith.cmpi eq, %iota3A, %eq3A_0 : vector<16xi32>
    %broadcast_in_dim3A = arith.constant 0 : i32
    %broadcast_in_dim3A_2 = vector.broadcast %broadcast_in_dim3A : i32 to vector<16xi32>
    "tpu.region"() ({
      %run_scoped3A = tpu.sem_alloc : memref<!tpu.dma_semaphore, #tpu.memory_space<semaphore_mem>>
      tpu.enqueue_dma source(%arg3 : memref<32xi32, #tpu.memory_space<hbm>>) target(%arg5 : memref<32xi32, #tpu.memory_space<vmem>>) target_semaphore(%run_scoped3A : memref<!tpu.dma_semaphore, #tpu.memory_space<semaphore_mem>>)
      tpu.wait_dma2 semaphore(%run_scoped3A : memref<!tpu.dma_semaphore, #tpu.memory_space<semaphore_mem>>) src(%arg3 : memref<32xi32, #tpu.memory_space<hbm>>) dst(%arg5 : memref<32xi32, #tpu.memory_space<vmem>>)
      tpu.yield
    }) : () -> ()
    %mul3A = arith.constant 2 : i32
    %mul3A_3 = arith.muli %mul3A, %arg1 : i32
    %broadcast_in_dim3A_4 = vector.broadcast %mul3A_3 : i32 to vector<16xi32>
    %gather3A = tpu.vector_load_idx %arg5[%broadcast_in_dim3A_4] : memref<32xi32, #tpu.memory_space<vmem>>[vector<16xi32>], vector<16xi32>,
    %mul3A_5 = arith.constant 2 : i32
    %mul3A_6 = arith.muli %mul3A_5, %arg1 : i32
    %add3A = arith.constant 1 : i32
    %add3A_7 = arith.addi %mul3A_6, %add3A : i32
    %broadcast_in_dim3A_8 = vector.broadcast %add3A_7 : i32 to vector<16xi32>
    %gather3A_9 = tpu.vector_load_idx %arg5[%broadcast_in_dim3A_8] : memref<32xi32, #tpu.memory_space<vmem>>[vector<16xi32>], vector<16xi32>,
    tpu.vector_store_idx %arg6[%broadcast_in_dim3A_2], %gather3A masked %eq3A_1 : memref<1xi32, #tpu.memory_space<vmem>>[vector<16xi32>], vector<16xi32>, vector<16xi1>
    tpu.vector_store_idx %arg7[%broadcast_in_dim3A_2], %gather3A_9 masked %eq3A_1 : memref<1xi32, #tpu.memory_space<vmem>>[vector<16xi32>], vector<16xi32>, vector<16xi1>
    %dma_start3A = arith.constant 0 : i32
    %dma_start3A_10 = arith.constant 0 : i32
    %dma_start3A_11 = tpu.memref_slice %arg2[%dma_start3A, %dma_start3A_10] : memref<8192x8192xf32, #tpu.memory_space<hbm>> -> memref<8192x8192xf32, #tpu.memory_space<hbm>>
    tpu.enqueue_indirect_dma source(%dma_start3A_11 : memref<8192x8192xf32, #tpu.memory_space<hbm>>) target(%arg8 : memref<1x8192xf32, #tpu.memory_space<vmem>>) offsets(%arg6 : memref<1xi32, #tpu.memory_space<vmem>>) semaphore(%arg10 : memref<!tpu.dma_semaphore, #tpu.memory_space<semaphore_mem>>)
    %dma_start3A_12 = arith.constant 0 : i32
    %dma_start3A_13 = arith.constant 0 : i32
    %dma_start3A_14 = tpu.memref_slice %arg2[%dma_start3A_12, %dma_start3A_13] : memref<8192x8192xf32, #tpu.memory_space<hbm>> -> memref<8192x8192xf32, #tpu.memory_space<hbm>>
    tpu.enqueue_indirect_dma source(%dma_start3A_14 : memref<8192x8192xf32, #tpu.memory_space<hbm>>) target(%arg9 : memref<1x8192xf32, #tpu.memory_space<vmem>>) offsets(%arg7 : memref<1xi32, #tpu.memory_space<vmem>>) semaphore(%arg11 : memref<!tpu.dma_semaphore, #tpu.memory_space<semaphore_mem>>)
    %dma_wait3A = arith.constant 0 : i32
    %dma_wait3A_15 = arith.constant 0 : i32
    %dma_wait3A_16 = tpu.memref_slice %arg2[%dma_wait3A, %dma_wait3A_15] : memref<8192x8192xf32, #tpu.memory_space<hbm>> -> memref<8192x8192xf32, #tpu.memory_space<hbm>>
    tpu.wait_indirect_dma semaphore(%arg10 : memref<!tpu.dma_semaphore, #tpu.memory_space<semaphore_mem>>) src(%dma_wait3A_16 : memref<8192x8192xf32, #tpu.memory_space<hbm>>) dst(%arg8 : memref<1x8192xf32, #tpu.memory_space<vmem>>)
    %mul3A_17 = arith.constant 2 : i32
    %mul3A_18 = arith.muli %mul3A_17, %arg1 : i32
    %dma_start3A_19 = arith.constant 0 : i32
    %dma_start3A_20 = tpu.memref_slice %arg4[%mul3A_18, %dma_start3A_19] : memref<32x8192xf32, #tpu.memory_space<hbm>> -> memref<1x8192xf32, #tpu.memory_space<hbm>>
    %dma_start3A_21 = arith.constant 0 : i32
    %dma_start3A_22 = tpu.memref_slice %arg4[%mul3A_18, %dma_start3A_21] : memref<32x8192xf32, #tpu.memory_space<hbm>> -> memref<1x8192xf32, #tpu.memory_space<hbm>>
    tpu.enqueue_dma source(%arg8 : memref<1x8192xf32, #tpu.memory_space<vmem>>) target(%dma_start3A_22 : memref<1x8192xf32, #tpu.memory_space<hbm>>) target_semaphore(%arg12 : memref<!tpu.dma_semaphore, #tpu.memory_space<semaphore_mem>>)
    %dma_wait3A_23 = arith.constant 0 : i32
    %dma_wait3A_24 = arith.constant 0 : i32
    %dma_wait3A_25 = tpu.memref_slice %arg2[%dma_wait3A_23, %dma_wait3A_24] : memref<8192x8192xf32, #tpu.memory_space<hbm>> -> memref<8192x8192xf32, #tpu.memory_space<hbm>>
    tpu.wait_indirect_dma semaphore(%arg11 : memref<!tpu.dma_semaphore, #tpu.memory_space<semaphore_mem>>) src(%dma_wait3A_25 : memref<8192x8192xf32, #tpu.memory_space<hbm>>) dst(%arg9 : memref<1x8192xf32, #tpu.memory_space<vmem>>)
    %mul3A_26 = arith.constant 2 : i32
    %mul3A_27 = arith.muli %mul3A_26, %arg1 : i32
    %add3A_28 = arith.constant 1 : i32
    %add3A_29 = arith.addi %mul3A_27, %add3A_28 : i32
    %dma_start3A_30 = arith.constant 0 : i32
    %dma_start3A_31 = tpu.memref_slice %arg4[%add3A_29, %dma_start3A_30] : memref<32x8192xf32, #tpu.memory_space<hbm>> -> memref<1x8192xf32, #tpu.memory_space<hbm>>
    %dma_start3A_32 = arith.constant 0 : i32
    %dma_start3A_33 = tpu.memref_slice %arg4[%add3A_29, %dma_start3A_32] : memref<32x8192xf32, #tpu.memory_space<hbm>> -> memref<1x8192xf32, #tpu.memory_space<hbm>>
    tpu.enqueue_dma source(%arg9 : memref<1x8192xf32, #tpu.memory_space<vmem>>) target(%dma_start3A_33 : memref<1x8192xf32, #tpu.memory_space<hbm>>) target_semaphore(%arg12 : memref<!tpu.dma_semaphore, #tpu.memory_space<semaphore_mem>>)
    %dma_wait3A_34 = arith.constant 0 : i32
    %dma_wait3A_35 = tpu.memref_slice %arg4[%mul3A_18, %dma_wait3A_34] : memref<32x8192xf32, #tpu.memory_space<hbm>> -> memref<1x8192xf32, #tpu.memory_space<hbm>>
    %dma_wait3A_36 = arith.constant 0 : i32
    %dma_wait3A_37 = tpu.memref_slice %arg4[%mul3A_18, %dma_wait3A_36] : memref<32x8192xf32, #tpu.memory_space<hbm>> -> memref<1x8192xf32, #tpu.memory_space<hbm>>
    tpu.wait_dma2 semaphore(%arg12 : memref<!tpu.dma_semaphore, #tpu.memory_space<semaphore_mem>>) src(%arg8 : memref<1x8192xf32, #tpu.memory_space<vmem>>) dst(%dma_wait3A_37 : memref<1x8192xf32, #tpu.memory_space<hbm>>)
    %dma_wait3A_38 = arith.constant 0 : i32
    %dma_wait3A_39 = tpu.memref_slice %arg4[%add3A_29, %dma_wait3A_38] : memref<32x8192xf32, #tpu.memory_space<hbm>> -> memref<1x8192xf32, #tpu.memory_space<hbm>>
    %dma_wait3A_40 = arith.constant 0 : i32
    %dma_wait3A_41 = tpu.memref_slice %arg4[%add3A_29, %dma_wait3A_40] : memref<32x8192xf32, #tpu.memory_space<hbm>> -> memref<1x8192xf32, #tpu.memory_space<hbm>>
    tpu.wait_dma2 semaphore(%arg12 : memref<!tpu.dma_semaphore, #tpu.memory_space<semaphore_mem>>) src(%arg9 : memref<1x8192xf32, #tpu.memory_space<vmem>>) dst(%dma_wait3A_41 : memref<1x8192xf32, #tpu.memory_space<hbm>>)
    return
  }
}

module attributes {stable_mosaic.version = 14 : i64} {
  func.func @_tc_loss_body(%arg0: memref<32xi32, #tpu.memory_space<smem>>, %arg1: memref<4x8xi32, #tpu.memory_space<vmem>>, %arg2: memref<8192x8192xf32, #tpu.memory_space<any>>, %arg3: memref<1x1xf32, #tpu.memory_space<vmem>>, %arg4: memref<32x8192xf32, #tpu.memory_space<vmem>>, %arg5: memref<!tpu.dma_semaphore, #tpu.memory_space<semaphore_mem>>) attributes {dimension_semantics = [], scalar_prefetch = 1 : i64, scratch_operands = 2 : i64, tpu.core_type = #tpu.core_type<tc>} {
    %get3A = arith.constant 0 : index
    %get3A_0 = memref.load %arg0[%get3A] : memref<32xi32, #tpu.memory_space<smem>>
    %dma_start3A = arith.constant 0 : i32
    %dma_start3A_1 = arith.constant 0 : i32
    %dma_start3A_2 = tpu.memref_slice %arg4[%dma_start3A, %dma_start3A_1] : memref<32x8192xf32, #tpu.memory_space<vmem>> -> memref<1x8192xf32, #tpu.memory_space<vmem>>
    %dma_start3A_3 = arith.constant 0 : i32
    %dma_start3A_4 = tpu.memref_slice %arg2[%get3A_0, %dma_start3A_3] : memref<8192x8192xf32, #tpu.memory_space<any>> -> memref<1x8192xf32, #tpu.memory_space<any>>
    tpu.enqueue_dma source(%dma_start3A_4 : memref<1x8192xf32, #tpu.memory_space<any>>) target(%dma_start3A_2 : memref<1x8192xf32, #tpu.memory_space<vmem>>) target_semaphore(%arg5 : memref<!tpu.dma_semaphore, #tpu.memory_space<semaphore_mem>>)
    %get3A_5 = arith.constant 1 : index
    %get3A_6 = memref.load %arg0[%get3A_5] : memref<32xi32, #tpu.memory_space<smem>>
    %dma_start3A_7 = arith.constant 1 : i32
    %dma_start3A_8 = arith.constant 0 : i32
    %dma_start3A_9 = tpu.memref_slice %arg4[%dma_start3A_7, %dma_start3A_8] : memref<32x8192xf32, #tpu.memory_space<vmem>> -> memref<1x8192xf32, #tpu.memory_space<vmem>>
    %dma_start3A_10 = arith.constant 0 : i32
    %dma_start3A_11 = tpu.memref_slice %arg2[%get3A_6, %dma_start3A_10] : memref<8192x8192xf32, #tpu.memory_space<any>> -> memref<1x8192xf32, #tpu.memory_space<any>>
    tpu.enqueue_dma source(%dma_start3A_11 : memref<1x8192xf32, #tpu.memory_space<any>>) target(%dma_start3A_9 : memref<1x8192xf32, #tpu.memory_space<vmem>>) target_semaphore(%arg5 : memref<!tpu.dma_semaphore, #tpu.memory_space<semaphore_mem>>)
    %get3A_12 = arith.constant 2 : index
    %get3A_13 = memref.load %arg0[%get3A_12] : memref<32xi32, #tpu.memory_space<smem>>
    %dma_start3A_14 = arith.constant 2 : i32
    %dma_start3A_15 = arith.constant 0 : i32
    %dma_start3A_16 = tpu.memref_slice %arg4[%dma_start3A_14, %dma_start3A_15] : memref<32x8192xf32, #tpu.memory_space<vmem>> -> memref<1x8192xf32, #tpu.memory_space<vmem>>
    %dma_start3A_17 = arith.constant 0 : i32
    %dma_start3A_18 = tpu.memref_slice %arg2[%get3A_13, %dma_start3A_17] : memref<8192x8192xf32, #tpu.memory_space<any>> -> memref<1x8192xf32, #tpu.memory_space<any>>
    tpu.enqueue_dma source(%dma_start3A_18 : memref<1x8192xf32, #tpu.memory_space<any>>) target(%dma_start3A_16 : memref<1x8192xf32, #tpu.memory_space<vmem>>) target_semaphore(%arg5 : memref<!tpu.dma_semaphore, #tpu.memory_space<semaphore_mem>>)
    %get3A_19 = arith.constant 3 : index
    %get3A_20 = memref.load %arg0[%get3A_19] : memref<32xi32, #tpu.memory_space<smem>>
    %dma_start3A_21 = arith.constant 3 : i32
    %dma_start3A_22 = arith.constant 0 : i32
    %dma_start3A_23 = tpu.memref_slice %arg4[%dma_start3A_21, %dma_start3A_22] : memref<32x8192xf32, #tpu.memory_space<vmem>> -> memref<1x8192xf32, #tpu.memory_space<vmem>>
    %dma_start3A_24 = arith.constant 0 : i32
    %dma_start3A_25 = tpu.memref_slice %arg2[%get3A_20, %dma_start3A_24] : memref<8192x8192xf32, #tpu.memory_space<any>> -> memref<1x8192xf32, #tpu.memory_space<any>>
    tpu.enqueue_dma source(%dma_start3A_25 : memref<1x8192xf32, #tpu.memory_space<any>>) target(%dma_start3A_23 : memref<1x8192xf32, #tpu.memory_space<vmem>>) target_semaphore(%arg5 : memref<!tpu.dma_semaphore, #tpu.memory_space<semaphore_mem>>)
    %get3A_26 = arith.constant 4 : index
    %get3A_27 = memref.load %arg0[%get3A_26] : memref<32xi32, #tpu.memory_space<smem>>
    %dma_start3A_28 = arith.constant 4 : i32
    %dma_start3A_29 = arith.constant 0 : i32
    %dma_start3A_30 = tpu.memref_slice %arg4[%dma_start3A_28, %dma_start3A_29] : memref<32x8192xf32, #tpu.memory_space<vmem>> -> memref<1x8192xf32, #tpu.memory_space<vmem>>
    %dma_start3A_31 = arith.constant 0 : i32
    %dma_start3A_32 = tpu.memref_slice %arg2[%get3A_27, %dma_start3A_31] : memref<8192x8192xf32, #tpu.memory_space<any>> -> memref<1x8192xf32, #tpu.memory_space<any>>
    tpu.enqueue_dma source(%dma_start3A_32 : memref<1x8192xf32, #tpu.memory_space<any>>) target(%dma_start3A_30 : memref<1x8192xf32, #tpu.memory_space<vmem>>) target_semaphore(%arg5 : memref<!tpu.dma_semaphore, #tpu.memory_space<semaphore_mem>>)
    %get3A_33 = arith.constant 5 : index
    %get3A_34 = memref.load %arg0[%get3A_33] : memref<32xi32, #tpu.memory_space<smem>>
    %dma_start3A_35 = arith.constant 5 : i32
    %dma_start3A_36 = arith.constant 0 : i32
    %dma_start3A_37 = tpu.memref_slice %arg4[%dma_start3A_35, %dma_start3A_36] : memref<32x8192xf32, #tpu.memory_space<vmem>> -> memref<1x8192xf32, #tpu.memory_space<vmem>>
    %dma_start3A_38 = arith.constant 0 : i32
    %dma_start3A_39 = tpu.memref_slice %arg2[%get3A_34, %dma_start3A_38] : memref<8192x8192xf32, #tpu.memory_space<any>> -> memref<1x8192xf32, #tpu.memory_space<any>>
    tpu.enqueue_dma source(%dma_start3A_39 : memref<1x8192xf32, #tpu.memory_space<any>>) target(%dma_start3A_37 : memref<1x8192xf32, #tpu.memory_space<vmem>>) target_semaphore(%arg5 : memref<!tpu.dma_semaphore, #tpu.memory_space<semaphore_mem>>)
    %get3A_40 = arith.constant 6 : index
    %get3A_41 = memref.load %arg0[%get3A_40] : memref<32xi32, #tpu.memory_space<smem>>
    %dma_start3A_42 = arith.constant 6 : i32
    %dma_start3A_43 = arith.constant 0 : i32
    %dma_start3A_44 = tpu.memref_slice %arg4[%dma_start3A_42, %dma_start3A_43] : memref<32x8192xf32, #tpu.memory_space<vmem>> -> memref<1x8192xf32, #tpu.memory_space<vmem>>
    %dma_start3A_45 = arith.constant 0 : i32
    %dma_start3A_46 = tpu.memref_slice %arg2[%get3A_41, %dma_start3A_45] : memref<8192x8192xf32, #tpu.memory_space<any>> -> memref<1x8192xf32, #tpu.memory_space<any>>
    tpu.enqueue_dma source(%dma_start3A_46 : memref<1x8192xf32, #tpu.memory_space<any>>) target(%dma_start3A_44 : memref<1x8192xf32, #tpu.memory_space<vmem>>) target_semaphore(%arg5 : memref<!tpu.dma_semaphore, #tpu.memory_space<semaphore_mem>>)
    %get3A_47 = arith.constant 7 : index
    %get3A_48 = memref.load %arg0[%get3A_47] : memref<32xi32, #tpu.memory_space<smem>>
    %dma_start3A_49 = arith.constant 7 : i32
    %dma_start3A_50 = arith.constant 0 : i32
    %dma_start3A_51 = tpu.memref_slice %arg4[%dma_start3A_49, %dma_start3A_50] : memref<32x8192xf32, #tpu.memory_space<vmem>> -> memref<1x8192xf32, #tpu.memory_space<vmem>>
    %dma_start3A_52 = arith.constant 0 : i32
    %dma_start3A_53 = tpu.memref_slice %arg2[%get3A_48, %dma_start3A_52] : memref<8192x8192xf32, #tpu.memory_space<any>> -> memref<1x8192xf32, #tpu.memory_space<any>>
    tpu.enqueue_dma source(%dma_start3A_53 : memref<1x8192xf32, #tpu.memory_space<any>>) target(%dma_start3A_51 : memref<1x8192xf32, #tpu.memory_space<vmem>>) target_semaphore(%arg5 : memref<!tpu.dma_semaphore, #tpu.memory_space<semaphore_mem>>)
    %get3A_54 = arith.constant 8 : index
    %get3A_55 = memref.load %arg0[%get3A_54] : memref<32xi32, #tpu.memory_space<smem>>
    %dma_start3A_56 = arith.constant 8 : i32
    %dma_start3A_57 = arith.constant 0 : i32
    %dma_start3A_58 = tpu.memref_slice %arg4[%dma_start3A_56, %dma_start3A_57] : memref<32x8192xf32, #tpu.memory_space<vmem>> -> memref<1x8192xf32, #tpu.memory_space<vmem>>
    %dma_start3A_59 = arith.constant 0 : i32
    %dma_start3A_60 = tpu.memref_slice %arg2[%get3A_55, %dma_start3A_59] : memref<8192x8192xf32, #tpu.memory_space<any>> -> memref<1x8192xf32, #tpu.memory_space<any>>
    tpu.enqueue_dma source(%dma_start3A_60 : memref<1x8192xf32, #tpu.memory_space<any>>) target(%dma_start3A_58 : memref<1x8192xf32, #tpu.memory_space<vmem>>) target_semaphore(%arg5 : memref<!tpu.dma_semaphore, #tpu.memory_space<semaphore_mem>>)
    %get3A_61 = arith.constant 9 : index
    %get3A_62 = memref.load %arg0[%get3A_61] : memref<32xi32, #tpu.memory_space<smem>>
    %dma_start3A_63 = arith.constant 9 : i32
    %dma_start3A_64 = arith.constant 0 : i32
    %dma_start3A_65 = tpu.memref_slice %arg4[%dma_start3A_63, %dma_start3A_64] : memref<32x8192xf32, #tpu.memory_space<vmem>> -> memref<1x8192xf32, #tpu.memory_space<vmem>>
    %dma_start3A_66 = arith.constant 0 : i32
    %dma_start3A_67 = tpu.memref_slice %arg2[%get3A_62, %dma_start3A_66] : memref<8192x8192xf32, #tpu.memory_space<any>> -> memref<1x8192xf32, #tpu.memory_space<any>>
    tpu.enqueue_dma source(%dma_start3A_67 : memref<1x8192xf32, #tpu.memory_space<any>>) target(%dma_start3A_65 : memref<1x8192xf32, #tpu.memory_space<vmem>>) target_semaphore(%arg5 : memref<!tpu.dma_semaphore, #tpu.memory_space<semaphore_mem>>)
    %get3A_68 = arith.constant 10 : index
    %get3A_69 = memref.load %arg0[%get3A_68] : memref<32xi32, #tpu.memory_space<smem>>
    %dma_start3A_70 = arith.constant 10 : i32
    %dma_start3A_71 = arith.constant 0 : i32
    %dma_start3A_72 = tpu.memref_slice %arg4[%dma_start3A_70, %dma_start3A_71] : memref<32x8192xf32, #tpu.memory_space<vmem>> -> memref<1x8192xf32, #tpu.memory_space<vmem>>
    %dma_start3A_73 = arith.constant 0 : i32
    %dma_start3A_74 = tpu.memref_slice %arg2[%get3A_69, %dma_start3A_73] : memref<8192x8192xf32, #tpu.memory_space<any>> -> memref<1x8192xf32, #tpu.memory_space<any>>
    tpu.enqueue_dma source(%dma_start3A_74 : memref<1x8192xf32, #tpu.memory_space<any>>) target(%dma_start3A_72 : memref<1x8192xf32, #tpu.memory_space<vmem>>) target_semaphore(%arg5 : memref<!tpu.dma_semaphore, #tpu.memory_space<semaphore_mem>>)
    %get3A_75 = arith.constant 11 : index
    %get3A_76 = memref.load %arg0[%get3A_75] : memref<32xi32, #tpu.memory_space<smem>>
    %dma_start3A_77 = arith.constant 11 : i32
    %dma_start3A_78 = arith.constant 0 : i32
    %dma_start3A_79 = tpu.memref_slice %arg4[%dma_start3A_77, %dma_start3A_78] : memref<32x8192xf32, #tpu.memory_space<vmem>> -> memref<1x8192xf32, #tpu.memory_space<vmem>>
    %dma_start3A_80 = arith.constant 0 : i32
    %dma_start3A_81 = tpu.memref_slice %arg2[%get3A_76, %dma_start3A_80] : memref<8192x8192xf32, #tpu.memory_space<any>> -> memref<1x8192xf32, #tpu.memory_space<any>>
    tpu.enqueue_dma source(%dma_start3A_81 : memref<1x8192xf32, #tpu.memory_space<any>>) target(%dma_start3A_79 : memref<1x8192xf32, #tpu.memory_space<vmem>>) target_semaphore(%arg5 : memref<!tpu.dma_semaphore, #tpu.memory_space<semaphore_mem>>)
    %get3A_82 = arith.constant 12 : index
    %get3A_83 = memref.load %arg0[%get3A_82] : memref<32xi32, #tpu.memory_space<smem>>
    %dma_start3A_84 = arith.constant 12 : i32
    %dma_start3A_85 = arith.constant 0 : i32
    %dma_start3A_86 = tpu.memref_slice %arg4[%dma_start3A_84, %dma_start3A_85] : memref<32x8192xf32, #tpu.memory_space<vmem>> -> memref<1x8192xf32, #tpu.memory_space<vmem>>
    %dma_start3A_87 = arith.constant 0 : i32
    %dma_start3A_88 = tpu.memref_slice %arg2[%get3A_83, %dma_start3A_87] : memref<8192x8192xf32, #tpu.memory_space<any>> -> memref<1x8192xf32, #tpu.memory_space<any>>
    tpu.enqueue_dma source(%dma_start3A_88 : memref<1x8192xf32, #tpu.memory_space<any>>) target(%dma_start3A_86 : memref<1x8192xf32, #tpu.memory_space<vmem>>) target_semaphore(%arg5 : memref<!tpu.dma_semaphore, #tpu.memory_space<semaphore_mem>>)
    %get3A_89 = arith.constant 13 : index
    %get3A_90 = memref.load %arg0[%get3A_89] : memref<32xi32, #tpu.memory_space<smem>>
    %dma_start3A_91 = arith.constant 13 : i32
    %dma_start3A_92 = arith.constant 0 : i32
    %dma_start3A_93 = tpu.memref_slice %arg4[%dma_start3A_91, %dma_start3A_92] : memref<32x8192xf32, #tpu.memory_space<vmem>> -> memref<1x8192xf32, #tpu.memory_space<vmem>>
    %dma_start3A_94 = arith.constant 0 : i32
    %dma_start3A_95 = tpu.memref_slice %arg2[%get3A_90, %dma_start3A_94] : memref<8192x8192xf32, #tpu.memory_space<any>> -> memref<1x8192xf32, #tpu.memory_space<any>>
    tpu.enqueue_dma source(%dma_start3A_95 : memref<1x8192xf32, #tpu.memory_space<any>>) target(%dma_start3A_93 : memref<1x8192xf32, #tpu.memory_space<vmem>>) target_semaphore(%arg5 : memref<!tpu.dma_semaphore, #tpu.memory_space<semaphore_mem>>)
    %get3A_96 = arith.constant 14 : index
    %get3A_97 = memref.load %arg0[%get3A_96] : memref<32xi32, #tpu.memory_space<smem>>
    %dma_start3A_98 = arith.constant 14 : i32
    %dma_start3A_99 = arith.constant 0 : i32
    %dma_start3A_100 = tpu.memref_slice %arg4[%dma_start3A_98, %dma_start3A_99] : memref<32x8192xf32, #tpu.memory_space<vmem>> -> memref<1x8192xf32, #tpu.memory_space<vmem>>
    %dma_start3A_101 = arith.constant 0 : i32
    %dma_start3A_102 = tpu.memref_slice %arg2[%get3A_97, %dma_start3A_101] : memref<8192x8192xf32, #tpu.memory_space<any>> -> memref<1x8192xf32, #tpu.memory_space<any>>
    tpu.enqueue_dma source(%dma_start3A_102 : memref<1x8192xf32, #tpu.memory_space<any>>) target(%dma_start3A_100 : memref<1x8192xf32, #tpu.memory_space<vmem>>) target_semaphore(%arg5 : memref<!tpu.dma_semaphore, #tpu.memory_space<semaphore_mem>>)
    %get3A_103 = arith.constant 15 : index
    %get3A_104 = memref.load %arg0[%get3A_103] : memref<32xi32, #tpu.memory_space<smem>>
    %dma_start3A_105 = arith.constant 15 : i32
    %dma_start3A_106 = arith.constant 0 : i32
    %dma_start3A_107 = tpu.memref_slice %arg4[%dma_start3A_105, %dma_start3A_106] : memref<32x8192xf32, #tpu.memory_space<vmem>> -> memref<1x8192xf32, #tpu.memory_space<vmem>>
    %dma_start3A_108 = arith.constant 0 : i32
    %dma_start3A_109 = tpu.memref_slice %arg2[%get3A_104, %dma_start3A_108] : memref<8192x8192xf32, #tpu.memory_space<any>> -> memref<1x8192xf32, #tpu.memory_space<any>>
    tpu.enqueue_dma source(%dma_start3A_109 : memref<1x8192xf32, #tpu.memory_space<any>>) target(%dma_start3A_107 : memref<1x8192xf32, #tpu.memory_space<vmem>>) target_semaphore(%arg5 : memref<!tpu.dma_semaphore, #tpu.memory_space<semaphore_mem>>)
    %get3A_110 = arith.constant 16 : index
    %get3A_111 = memref.load %arg0[%get3A_110] : memref<32xi32, #tpu.memory_space<smem>>
    %dma_start3A_112 = arith.constant 16 : i32
    %dma_start3A_113 = arith.constant 0 : i32
    %dma_start3A_114 = tpu.memref_slice %arg4[%dma_start3A_112, %dma_start3A_113] : memref<32x8192xf32, #tpu.memory_space<vmem>> -> memref<1x8192xf32, #tpu.memory_space<vmem>>
    %dma_start3A_115 = arith.constant 0 : i32
    %dma_start3A_116 = tpu.memref_slice %arg2[%get3A_111, %dma_start3A_115] : memref<8192x8192xf32, #tpu.memory_space<any>> -> memref<1x8192xf32, #tpu.memory_space<any>>
    tpu.enqueue_dma source(%dma_start3A_116 : memref<1x8192xf32, #tpu.memory_space<any>>) target(%dma_start3A_114 : memref<1x8192xf32, #tpu.memory_space<vmem>>) target_semaphore(%arg5 : memref<!tpu.dma_semaphore, #tpu.memory_space<semaphore_mem>>)
    %get3A_117 = arith.constant 17 : index
    %get3A_118 = memref.load %arg0[%get3A_117] : memref<32xi32, #tpu.memory_space<smem>>
    %dma_start3A_119 = arith.constant 17 : i32
    %dma_start3A_120 = arith.constant 0 : i32
    %dma_start3A_121 = tpu.memref_slice %arg4[%dma_start3A_119, %dma_start3A_120] : memref<32x8192xf32, #tpu.memory_space<vmem>> -> memref<1x8192xf32, #tpu.memory_space<vmem>>
    %dma_start3A_122 = arith.constant 0 : i32
    %dma_start3A_123 = tpu.memref_slice %arg2[%get3A_118, %dma_start3A_122] : memref<8192x8192xf32, #tpu.memory_space<any>> -> memref<1x8192xf32, #tpu.memory_space<any>>
    tpu.enqueue_dma source(%dma_start3A_123 : memref<1x8192xf32, #tpu.memory_space<any>>) target(%dma_start3A_121 : memref<1x8192xf32, #tpu.memory_space<vmem>>) target_semaphore(%arg5 : memref<!tpu.dma_semaphore, #tpu.memory_space<semaphore_mem>>)
    %get3A_124 = arith.constant 18 : index
    %get3A_125 = memref.load %arg0[%get3A_124] : memref<32xi32, #tpu.memory_space<smem>>
    %dma_start3A_126 = arith.constant 18 : i32
    %dma_start3A_127 = arith.constant 0 : i32
    %dma_start3A_128 = tpu.memref_slice %arg4[%dma_start3A_126, %dma_start3A_127] : memref<32x8192xf32, #tpu.memory_space<vmem>> -> memref<1x8192xf32, #tpu.memory_space<vmem>>
    %dma_start3A_129 = arith.constant 0 : i32
    %dma_start3A_130 = tpu.memref_slice %arg2[%get3A_125, %dma_start3A_129] : memref<8192x8192xf32, #tpu.memory_space<any>> -> memref<1x8192xf32, #tpu.memory_space<any>>
    tpu.enqueue_dma source(%dma_start3A_130 : memref<1x8192xf32, #tpu.memory_space<any>>) target(%dma_start3A_128 : memref<1x8192xf32, #tpu.memory_space<vmem>>) target_semaphore(%arg5 : memref<!tpu.dma_semaphore, #tpu.memory_space<semaphore_mem>>)
    %get3A_131 = arith.constant 19 : index
    %get3A_132 = memref.load %arg0[%get3A_131] : memref<32xi32, #tpu.memory_space<smem>>
    %dma_start3A_133 = arith.constant 19 : i32
    %dma_start3A_134 = arith.constant 0 : i32
    %dma_start3A_135 = tpu.memref_slice %arg4[%dma_start3A_133, %dma_start3A_134] : memref<32x8192xf32, #tpu.memory_space<vmem>> -> memref<1x8192xf32, #tpu.memory_space<vmem>>
    %dma_start3A_136 = arith.constant 0 : i32
    %dma_start3A_137 = tpu.memref_slice %arg2[%get3A_132, %dma_start3A_136] : memref<8192x8192xf32, #tpu.memory_space<any>> -> memref<1x8192xf32, #tpu.memory_space<any>>
    tpu.enqueue_dma source(%dma_start3A_137 : memref<1x8192xf32, #tpu.memory_space<any>>) target(%dma_start3A_135 : memref<1x8192xf32, #tpu.memory_space<vmem>>) target_semaphore(%arg5 : memref<!tpu.dma_semaphore, #tpu.memory_space<semaphore_mem>>)
    %get3A_138 = arith.constant 20 : index
    %get3A_139 = memref.load %arg0[%get3A_138] : memref<32xi32, #tpu.memory_space<smem>>
    %dma_start3A_140 = arith.constant 20 : i32
    %dma_start3A_141 = arith.constant 0 : i32
    %dma_start3A_142 = tpu.memref_slice %arg4[%dma_start3A_140, %dma_start3A_141] : memref<32x8192xf32, #tpu.memory_space<vmem>> -> memref<1x8192xf32, #tpu.memory_space<vmem>>
    %dma_start3A_143 = arith.constant 0 : i32
    %dma_start3A_144 = tpu.memref_slice %arg2[%get3A_139, %dma_start3A_143] : memref<8192x8192xf32, #tpu.memory_space<any>> -> memref<1x8192xf32, #tpu.memory_space<any>>
    tpu.enqueue_dma source(%dma_start3A_144 : memref<1x8192xf32, #tpu.memory_space<any>>) target(%dma_start3A_142 : memref<1x8192xf32, #tpu.memory_space<vmem>>) target_semaphore(%arg5 : memref<!tpu.dma_semaphore, #tpu.memory_space<semaphore_mem>>)
    %get3A_145 = arith.constant 21 : index
    %get3A_146 = memref.load %arg0[%get3A_145] : memref<32xi32, #tpu.memory_space<smem>>
    %dma_start3A_147 = arith.constant 21 : i32
    %dma_start3A_148 = arith.constant 0 : i32
    %dma_start3A_149 = tpu.memref_slice %arg4[%dma_start3A_147, %dma_start3A_148] : memref<32x8192xf32, #tpu.memory_space<vmem>> -> memref<1x8192xf32, #tpu.memory_space<vmem>>
    %dma_start3A_150 = arith.constant 0 : i32
    %dma_start3A_151 = tpu.memref_slice %arg2[%get3A_146, %dma_start3A_150] : memref<8192x8192xf32, #tpu.memory_space<any>> -> memref<1x8192xf32, #tpu.memory_space<any>>
    tpu.enqueue_dma source(%dma_start3A_151 : memref<1x8192xf32, #tpu.memory_space<any>>) target(%dma_start3A_149 : memref<1x8192xf32, #tpu.memory_space<vmem>>) target_semaphore(%arg5 : memref<!tpu.dma_semaphore, #tpu.memory_space<semaphore_mem>>)
    %get3A_152 = arith.constant 22 : index
    %get3A_153 = memref.load %arg0[%get3A_152] : memref<32xi32, #tpu.memory_space<smem>>
    %dma_start3A_154 = arith.constant 22 : i32
    %dma_start3A_155 = arith.constant 0 : i32
    %dma_start3A_156 = tpu.memref_slice %arg4[%dma_start3A_154, %dma_start3A_155] : memref<32x8192xf32, #tpu.memory_space<vmem>> -> memref<1x8192xf32, #tpu.memory_space<vmem>>
    %dma_start3A_157 = arith.constant 0 : i32
    %dma_start3A_158 = tpu.memref_slice %arg2[%get3A_153, %dma_start3A_157] : memref<8192x8192xf32, #tpu.memory_space<any>> -> memref<1x8192xf32, #tpu.memory_space<any>>
    tpu.enqueue_dma source(%dma_start3A_158 : memref<1x8192xf32, #tpu.memory_space<any>>) target(%dma_start3A_156 : memref<1x8192xf32, #tpu.memory_space<vmem>>) target_semaphore(%arg5 : memref<!tpu.dma_semaphore, #tpu.memory_space<semaphore_mem>>)
    %get3A_159 = arith.constant 23 : index
    %get3A_160 = memref.load %arg0[%get3A_159] : memref<32xi32, #tpu.memory_space<smem>>
    %dma_start3A_161 = arith.constant 23 : i32
    %dma_start3A_162 = arith.constant 0 : i32
    %dma_start3A_163 = tpu.memref_slice %arg4[%dma_start3A_161, %dma_start3A_162] : memref<32x8192xf32, #tpu.memory_space<vmem>> -> memref<1x8192xf32, #tpu.memory_space<vmem>>
    %dma_start3A_164 = arith.constant 0 : i32
    %dma_start3A_165 = tpu.memref_slice %arg2[%get3A_160, %dma_start3A_164] : memref<8192x8192xf32, #tpu.memory_space<any>> -> memref<1x8192xf32, #tpu.memory_space<any>>
    tpu.enqueue_dma source(%dma_start3A_165 : memref<1x8192xf32, #tpu.memory_space<any>>) target(%dma_start3A_163 : memref<1x8192xf32, #tpu.memory_space<vmem>>) target_semaphore(%arg5 : memref<!tpu.dma_semaphore, #tpu.memory_space<semaphore_mem>>)
    %get3A_166 = arith.constant 24 : index
    %get3A_167 = memref.load %arg0[%get3A_166] : memref<32xi32, #tpu.memory_space<smem>>
    %dma_start3A_168 = arith.constant 24 : i32
    %dma_start3A_169 = arith.constant 0 : i32
    %dma_start3A_170 = tpu.memref_slice %arg4[%dma_start3A_168, %dma_start3A_169] : memref<32x8192xf32, #tpu.memory_space<vmem>> -> memref<1x8192xf32, #tpu.memory_space<vmem>>
    %dma_start3A_171 = arith.constant 0 : i32
    %dma_start3A_172 = tpu.memref_slice %arg2[%get3A_167, %dma_start3A_171] : memref<8192x8192xf32, #tpu.memory_space<any>> -> memref<1x8192xf32, #tpu.memory_space<any>>
    tpu.enqueue_dma source(%dma_start3A_172 : memref<1x8192xf32, #tpu.memory_space<any>>) target(%dma_start3A_170 : memref<1x8192xf32, #tpu.memory_space<vmem>>) target_semaphore(%arg5 : memref<!tpu.dma_semaphore, #tpu.memory_space<semaphore_mem>>)
    %get3A_173 = arith.constant 25 : index
    %get3A_174 = memref.load %arg0[%get3A_173] : memref<32xi32, #tpu.memory_space<smem>>
    %dma_start3A_175 = arith.constant 25 : i32
    %dma_start3A_176 = arith.constant 0 : i32
    %dma_start3A_177 = tpu.memref_slice %arg4[%dma_start3A_175, %dma_start3A_176] : memref<32x8192xf32, #tpu.memory_space<vmem>> -> memref<1x8192xf32, #tpu.memory_space<vmem>>
    %dma_start3A_178 = arith.constant 0 : i32
    %dma_start3A_179 = tpu.memref_slice %arg2[%get3A_174, %dma_start3A_178] : memref<8192x8192xf32, #tpu.memory_space<any>> -> memref<1x8192xf32, #tpu.memory_space<any>>
    tpu.enqueue_dma source(%dma_start3A_179 : memref<1x8192xf32, #tpu.memory_space<any>>) target(%dma_start3A_177 : memref<1x8192xf32, #tpu.memory_space<vmem>>) target_semaphore(%arg5 : memref<!tpu.dma_semaphore, #tpu.memory_space<semaphore_mem>>)
    %get3A_180 = arith.constant 26 : index
    %get3A_181 = memref.load %arg0[%get3A_180] : memref<32xi32, #tpu.memory_space<smem>>
    %dma_start3A_182 = arith.constant 26 : i32
    %dma_start3A_183 = arith.constant 0 : i32
    %dma_start3A_184 = tpu.memref_slice %arg4[%dma_start3A_182, %dma_start3A_183] : memref<32x8192xf32, #tpu.memory_space<vmem>> -> memref<1x8192xf32, #tpu.memory_space<vmem>>
    %dma_start3A_185 = arith.constant 0 : i32
    %dma_start3A_186 = tpu.memref_slice %arg2[%get3A_181, %dma_start3A_185] : memref<8192x8192xf32, #tpu.memory_space<any>> -> memref<1x8192xf32, #tpu.memory_space<any>>
    tpu.enqueue_dma source(%dma_start3A_186 : memref<1x8192xf32, #tpu.memory_space<any>>) target(%dma_start3A_184 : memref<1x8192xf32, #tpu.memory_space<vmem>>) target_semaphore(%arg5 : memref<!tpu.dma_semaphore, #tpu.memory_space<semaphore_mem>>)
    %get3A_187 = arith.constant 27 : index
    %get3A_188 = memref.load %arg0[%get3A_187] : memref<32xi32, #tpu.memory_space<smem>>
    %dma_start3A_189 = arith.constant 27 : i32
    %dma_start3A_190 = arith.constant 0 : i32
    %dma_start3A_191 = tpu.memref_slice %arg4[%dma_start3A_189, %dma_start3A_190] : memref<32x8192xf32, #tpu.memory_space<vmem>> -> memref<1x8192xf32, #tpu.memory_space<vmem>>
    %dma_start3A_192 = arith.constant 0 : i32
    %dma_start3A_193 = tpu.memref_slice %arg2[%get3A_188, %dma_start3A_192] : memref<8192x8192xf32, #tpu.memory_space<any>> -> memref<1x8192xf32, #tpu.memory_space<any>>
    tpu.enqueue_dma source(%dma_start3A_193 : memref<1x8192xf32, #tpu.memory_space<any>>) target(%dma_start3A_191 : memref<1x8192xf32, #tpu.memory_space<vmem>>) target_semaphore(%arg5 : memref<!tpu.dma_semaphore, #tpu.memory_space<semaphore_mem>>)
    %get3A_194 = arith.constant 28 : index
    %get3A_195 = memref.load %arg0[%get3A_194] : memref<32xi32, #tpu.memory_space<smem>>
    %dma_start3A_196 = arith.constant 28 : i32
    %dma_start3A_197 = arith.constant 0 : i32
    %dma_start3A_198 = tpu.memref_slice %arg4[%dma_start3A_196, %dma_start3A_197] : memref<32x8192xf32, #tpu.memory_space<vmem>> -> memref<1x8192xf32, #tpu.memory_space<vmem>>
    %dma_start3A_199 = arith.constant 0 : i32
    %dma_start3A_200 = tpu.memref_slice %arg2[%get3A_195, %dma_start3A_199] : memref<8192x8192xf32, #tpu.memory_space<any>> -> memref<1x8192xf32, #tpu.memory_space<any>>
    tpu.enqueue_dma source(%dma_start3A_200 : memref<1x8192xf32, #tpu.memory_space<any>>) target(%dma_start3A_198 : memref<1x8192xf32, #tpu.memory_space<vmem>>) target_semaphore(%arg5 : memref<!tpu.dma_semaphore, #tpu.memory_space<semaphore_mem>>)
    %get3A_201 = arith.constant 29 : index
    %get3A_202 = memref.load %arg0[%get3A_201] : memref<32xi32, #tpu.memory_space<smem>>
    %dma_start3A_203 = arith.constant 29 : i32
    %dma_start3A_204 = arith.constant 0 : i32
    %dma_start3A_205 = tpu.memref_slice %arg4[%dma_start3A_203, %dma_start3A_204] : memref<32x8192xf32, #tpu.memory_space<vmem>> -> memref<1x8192xf32, #tpu.memory_space<vmem>>
    %dma_start3A_206 = arith.constant 0 : i32
    %dma_start3A_207 = tpu.memref_slice %arg2[%get3A_202, %dma_start3A_206] : memref<8192x8192xf32, #tpu.memory_space<any>> -> memref<1x8192xf32, #tpu.memory_space<any>>
    tpu.enqueue_dma source(%dma_start3A_207 : memref<1x8192xf32, #tpu.memory_space<any>>) target(%dma_start3A_205 : memref<1x8192xf32, #tpu.memory_space<vmem>>) target_semaphore(%arg5 : memref<!tpu.dma_semaphore, #tpu.memory_space<semaphore_mem>>)
    %get3A_208 = arith.constant 30 : index
    %get3A_209 = memref.load %arg0[%get3A_208] : memref<32xi32, #tpu.memory_space<smem>>
    %dma_start3A_210 = arith.constant 30 : i32
    %dma_start3A_211 = arith.constant 0 : i32
    %dma_start3A_212 = tpu.memref_slice %arg4[%dma_start3A_210, %dma_start3A_211] : memref<32x8192xf32, #tpu.memory_space<vmem>> -> memref<1x8192xf32, #tpu.memory_space<vmem>>
    %dma_start3A_213 = arith.constant 0 : i32
    %dma_start3A_214 = tpu.memref_slice %arg2[%get3A_209, %dma_start3A_213] : memref<8192x8192xf32, #tpu.memory_space<any>> -> memref<1x8192xf32, #tpu.memory_space<any>>
    tpu.enqueue_dma source(%dma_start3A_214 : memref<1x8192xf32, #tpu.memory_space<any>>) target(%dma_start3A_212 : memref<1x8192xf32, #tpu.memory_space<vmem>>) target_semaphore(%arg5 : memref<!tpu.dma_semaphore, #tpu.memory_space<semaphore_mem>>)
    %get3A_215 = arith.constant 31 : index
    %get3A_216 = memref.load %arg0[%get3A_215] : memref<32xi32, #tpu.memory_space<smem>>
    %dma_start3A_217 = arith.constant 31 : i32
    %dma_start3A_218 = arith.constant 0 : i32
    %dma_start3A_219 = tpu.memref_slice %arg4[%dma_start3A_217, %dma_start3A_218] : memref<32x8192xf32, #tpu.memory_space<vmem>> -> memref<1x8192xf32, #tpu.memory_space<vmem>>
    %dma_start3A_220 = arith.constant 0 : i32
    %dma_start3A_221 = tpu.memref_slice %arg2[%get3A_216, %dma_start3A_220] : memref<8192x8192xf32, #tpu.memory_space<any>> -> memref<1x8192xf32, #tpu.memory_space<any>>
    tpu.enqueue_dma source(%dma_start3A_221 : memref<1x8192xf32, #tpu.memory_space<any>>) target(%dma_start3A_219 : memref<1x8192xf32, #tpu.memory_space<vmem>>) target_semaphore(%arg5 : memref<!tpu.dma_semaphore, #tpu.memory_space<semaphore_mem>>)
    %dma_wait3A = arith.constant 0 : i32
    %dma_wait3A_222 = arith.constant 0 : i32
    %dma_wait3A_223 = tpu.memref_slice %arg4[%dma_wait3A, %dma_wait3A_222] : memref<32x8192xf32, #tpu.memory_space<vmem>> -> memref<1x8192xf32, #tpu.memory_space<vmem>>
    %dma_wait3A_224 = arith.constant 0 : i32
    %dma_wait3A_225 = arith.constant 0 : i32
    %dma_wait3A_226 = tpu.memref_slice %arg2[%dma_wait3A_224, %dma_wait3A_225] : memref<8192x8192xf32, #tpu.memory_space<any>> -> memref<1x8192xf32, #tpu.memory_space<any>>
    tpu.wait_dma2 semaphore(%arg5 : memref<!tpu.dma_semaphore, #tpu.memory_space<semaphore_mem>>) src(%dma_wait3A_226 : memref<1x8192xf32, #tpu.memory_space<any>>) dst(%dma_wait3A_223 : memref<1x8192xf32, #tpu.memory_space<vmem>>)
    %dma_wait3A_227 = arith.constant 1 : i32
    %dma_wait3A_228 = arith.constant 0 : i32
    %dma_wait3A_229 = tpu.memref_slice %arg4[%dma_wait3A_227, %dma_wait3A_228] : memref<32x8192xf32, #tpu.memory_space<vmem>> -> memref<1x8192xf32, #tpu.memory_space<vmem>>
    %dma_wait3A_230 = arith.constant 0 : i32
    %dma_wait3A_231 = arith.constant 0 : i32
    %dma_wait3A_232 = tpu.memref_slice %arg2[%dma_wait3A_230, %dma_wait3A_231] : memref<8192x8192xf32, #tpu.memory_space<any>> -> memref<1x8192xf32, #tpu.memory_space<any>>
    tpu.wait_dma2 semaphore(%arg5 : memref<!tpu.dma_semaphore, #tpu.memory_space<semaphore_mem>>) src(%dma_wait3A_232 : memref<1x8192xf32, #tpu.memory_space<any>>) dst(%dma_wait3A_229 : memref<1x8192xf32, #tpu.memory_space<vmem>>)
    %dma_wait3A_233 = arith.constant 2 : i32
    %dma_wait3A_234 = arith.constant 0 : i32
    %dma_wait3A_235 = tpu.memref_slice %arg4[%dma_wait3A_233, %dma_wait3A_234] : memref<32x8192xf32, #tpu.memory_space<vmem>> -> memref<1x8192xf32, #tpu.memory_space<vmem>>
    %dma_wait3A_236 = arith.constant 0 : i32
    %dma_wait3A_237 = arith.constant 0 : i32
    %dma_wait3A_238 = tpu.memref_slice %arg2[%dma_wait3A_236, %dma_wait3A_237] : memref<8192x8192xf32, #tpu.memory_space<any>> -> memref<1x8192xf32, #tpu.memory_space<any>>
    tpu.wait_dma2 semaphore(%arg5 : memref<!tpu.dma_semaphore, #tpu.memory_space<semaphore_mem>>) src(%dma_wait3A_238 : memref<1x8192xf32, #tpu.memory_space<any>>) dst(%dma_wait3A_235 : memref<1x8192xf32, #tpu.memory_space<vmem>>)
    %dma_wait3A_239 = arith.constant 3 : i32
    %dma_wait3A_240 = arith.constant 0 : i32
    %dma_wait3A_241 = tpu.memref_slice %arg4[%dma_wait3A_239, %dma_wait3A_240] : memref<32x8192xf32, #tpu.memory_space<vmem>> -> memref<1x8192xf32, #tpu.memory_space<vmem>>
    %dma_wait3A_242 = arith.constant 0 : i32
    %dma_wait3A_243 = arith.constant 0 : i32
    %dma_wait3A_244 = tpu.memref_slice %arg2[%dma_wait3A_242, %dma_wait3A_243] : memref<8192x8192xf32, #tpu.memory_space<any>> -> memref<1x8192xf32, #tpu.memory_space<any>>
    tpu.wait_dma2 semaphore(%arg5 : memref<!tpu.dma_semaphore, #tpu.memory_space<semaphore_mem>>) src(%dma_wait3A_244 : memref<1x8192xf32, #tpu.memory_space<any>>) dst(%dma_wait3A_241 : memref<1x8192xf32, #tpu.memory_space<vmem>>)
    %dma_wait3A_245 = arith.constant 4 : i32
    %dma_wait3A_246 = arith.constant 0 : i32
    %dma_wait3A_247 = tpu.memref_slice %arg4[%dma_wait3A_245, %dma_wait3A_246] : memref<32x8192xf32, #tpu.memory_space<vmem>> -> memref<1x8192xf32, #tpu.memory_space<vmem>>
    %dma_wait3A_248 = arith.constant 0 : i32
    %dma_wait3A_249 = arith.constant 0 : i32
    %dma_wait3A_250 = tpu.memref_slice %arg2[%dma_wait3A_248, %dma_wait3A_249] : memref<8192x8192xf32, #tpu.memory_space<any>> -> memref<1x8192xf32, #tpu.memory_space<any>>
    tpu.wait_dma2 semaphore(%arg5 : memref<!tpu.dma_semaphore, #tpu.memory_space<semaphore_mem>>) src(%dma_wait3A_250 : memref<1x8192xf32, #tpu.memory_space<any>>) dst(%dma_wait3A_247 : memref<1x8192xf32, #tpu.memory_space<vmem>>)
    %dma_wait3A_251 = arith.constant 5 : i32
    %dma_wait3A_252 = arith.constant 0 : i32
    %dma_wait3A_253 = tpu.memref_slice %arg4[%dma_wait3A_251, %dma_wait3A_252] : memref<32x8192xf32, #tpu.memory_space<vmem>> -> memref<1x8192xf32, #tpu.memory_space<vmem>>
    %dma_wait3A_254 = arith.constant 0 : i32
    %dma_wait3A_255 = arith.constant 0 : i32
    %dma_wait3A_256 = tpu.memref_slice %arg2[%dma_wait3A_254, %dma_wait3A_255] : memref<8192x8192xf32, #tpu.memory_space<any>> -> memref<1x8192xf32, #tpu.memory_space<any>>
    tpu.wait_dma2 semaphore(%arg5 : memref<!tpu.dma_semaphore, #tpu.memory_space<semaphore_mem>>) src(%dma_wait3A_256 : memref<1x8192xf32, #tpu.memory_space<any>>) dst(%dma_wait3A_253 : memref<1x8192xf32, #tpu.memory_space<vmem>>)
    %dma_wait3A_257 = arith.constant 6 : i32
    %dma_wait3A_258 = arith.constant 0 : i32
    %dma_wait3A_259 = tpu.memref_slice %arg4[%dma_wait3A_257, %dma_wait3A_258] : memref<32x8192xf32, #tpu.memory_space<vmem>> -> memref<1x8192xf32, #tpu.memory_space<vmem>>
    %dma_wait3A_260 = arith.constant 0 : i32
    %dma_wait3A_261 = arith.constant 0 : i32
    %dma_wait3A_262 = tpu.memref_slice %arg2[%dma_wait3A_260, %dma_wait3A_261] : memref<8192x8192xf32, #tpu.memory_space<any>> -> memref<1x8192xf32, #tpu.memory_space<any>>
    tpu.wait_dma2 semaphore(%arg5 : memref<!tpu.dma_semaphore, #tpu.memory_space<semaphore_mem>>) src(%dma_wait3A_262 : memref<1x8192xf32, #tpu.memory_space<any>>) dst(%dma_wait3A_259 : memref<1x8192xf32, #tpu.memory_space<vmem>>)
    %dma_wait3A_263 = arith.constant 7 : i32
    %dma_wait3A_264 = arith.constant 0 : i32
    %dma_wait3A_265 = tpu.memref_slice %arg4[%dma_wait3A_263, %dma_wait3A_264] : memref<32x8192xf32, #tpu.memory_space<vmem>> -> memref<1x8192xf32, #tpu.memory_space<vmem>>
    %dma_wait3A_266 = arith.constant 0 : i32
    %dma_wait3A_267 = arith.constant 0 : i32
    %dma_wait3A_268 = tpu.memref_slice %arg2[%dma_wait3A_266, %dma_wait3A_267] : memref<8192x8192xf32, #tpu.memory_space<any>> -> memref<1x8192xf32, #tpu.memory_space<any>>
    tpu.wait_dma2 semaphore(%arg5 : memref<!tpu.dma_semaphore, #tpu.memory_space<semaphore_mem>>) src(%dma_wait3A_268 : memref<1x8192xf32, #tpu.memory_space<any>>) dst(%dma_wait3A_265 : memref<1x8192xf32, #tpu.memory_space<vmem>>)
    %dma_wait3A_269 = arith.constant 8 : i32
    %dma_wait3A_270 = arith.constant 0 : i32
    %dma_wait3A_271 = tpu.memref_slice %arg4[%dma_wait3A_269, %dma_wait3A_270] : memref<32x8192xf32, #tpu.memory_space<vmem>> -> memref<1x8192xf32, #tpu.memory_space<vmem>>
    %dma_wait3A_272 = arith.constant 0 : i32
    %dma_wait3A_273 = arith.constant 0 : i32
    %dma_wait3A_274 = tpu.memref_slice %arg2[%dma_wait3A_272, %dma_wait3A_273] : memref<8192x8192xf32, #tpu.memory_space<any>> -> memref<1x8192xf32, #tpu.memory_space<any>>
    tpu.wait_dma2 semaphore(%arg5 : memref<!tpu.dma_semaphore, #tpu.memory_space<semaphore_mem>>) src(%dma_wait3A_274 : memref<1x8192xf32, #tpu.memory_space<any>>) dst(%dma_wait3A_271 : memref<1x8192xf32, #tpu.memory_space<vmem>>)
    %dma_wait3A_275 = arith.constant 9 : i32
    %dma_wait3A_276 = arith.constant 0 : i32
    %dma_wait3A_277 = tpu.memref_slice %arg4[%dma_wait3A_275, %dma_wait3A_276] : memref<32x8192xf32, #tpu.memory_space<vmem>> -> memref<1x8192xf32, #tpu.memory_space<vmem>>
    %dma_wait3A_278 = arith.constant 0 : i32
    %dma_wait3A_279 = arith.constant 0 : i32
    %dma_wait3A_280 = tpu.memref_slice %arg2[%dma_wait3A_278, %dma_wait3A_279] : memref<8192x8192xf32, #tpu.memory_space<any>> -> memref<1x8192xf32, #tpu.memory_space<any>>
    tpu.wait_dma2 semaphore(%arg5 : memref<!tpu.dma_semaphore, #tpu.memory_space<semaphore_mem>>) src(%dma_wait3A_280 : memref<1x8192xf32, #tpu.memory_space<any>>) dst(%dma_wait3A_277 : memref<1x8192xf32, #tpu.memory_space<vmem>>)
    %dma_wait3A_281 = arith.constant 10 : i32
    %dma_wait3A_282 = arith.constant 0 : i32
    %dma_wait3A_283 = tpu.memref_slice %arg4[%dma_wait3A_281, %dma_wait3A_282] : memref<32x8192xf32, #tpu.memory_space<vmem>> -> memref<1x8192xf32, #tpu.memory_space<vmem>>
    %dma_wait3A_284 = arith.constant 0 : i32
    %dma_wait3A_285 = arith.constant 0 : i32
    %dma_wait3A_286 = tpu.memref_slice %arg2[%dma_wait3A_284, %dma_wait3A_285] : memref<8192x8192xf32, #tpu.memory_space<any>> -> memref<1x8192xf32, #tpu.memory_space<any>>
    tpu.wait_dma2 semaphore(%arg5 : memref<!tpu.dma_semaphore, #tpu.memory_space<semaphore_mem>>) src(%dma_wait3A_286 : memref<1x8192xf32, #tpu.memory_space<any>>) dst(%dma_wait3A_283 : memref<1x8192xf32, #tpu.memory_space<vmem>>)
    %dma_wait3A_287 = arith.constant 11 : i32
    %dma_wait3A_288 = arith.constant 0 : i32
    %dma_wait3A_289 = tpu.memref_slice %arg4[%dma_wait3A_287, %dma_wait3A_288] : memref<32x8192xf32, #tpu.memory_space<vmem>> -> memref<1x8192xf32, #tpu.memory_space<vmem>>
    %dma_wait3A_290 = arith.constant 0 : i32
    %dma_wait3A_291 = arith.constant 0 : i32
    %dma_wait3A_292 = tpu.memref_slice %arg2[%dma_wait3A_290, %dma_wait3A_291] : memref<8192x8192xf32, #tpu.memory_space<any>> -> memref<1x8192xf32, #tpu.memory_space<any>>
    tpu.wait_dma2 semaphore(%arg5 : memref<!tpu.dma_semaphore, #tpu.memory_space<semaphore_mem>>) src(%dma_wait3A_292 : memref<1x8192xf32, #tpu.memory_space<any>>) dst(%dma_wait3A_289 : memref<1x8192xf32, #tpu.memory_space<vmem>>)
    %dma_wait3A_293 = arith.constant 12 : i32
    %dma_wait3A_294 = arith.constant 0 : i32
    %dma_wait3A_295 = tpu.memref_slice %arg4[%dma_wait3A_293, %dma_wait3A_294] : memref<32x8192xf32, #tpu.memory_space<vmem>> -> memref<1x8192xf32, #tpu.memory_space<vmem>>
    %dma_wait3A_296 = arith.constant 0 : i32
    %dma_wait3A_297 = arith.constant 0 : i32
    %dma_wait3A_298 = tpu.memref_slice %arg2[%dma_wait3A_296, %dma_wait3A_297] : memref<8192x8192xf32, #tpu.memory_space<any>> -> memref<1x8192xf32, #tpu.memory_space<any>>
    tpu.wait_dma2 semaphore(%arg5 : memref<!tpu.dma_semaphore, #tpu.memory_space<semaphore_mem>>) src(%dma_wait3A_298 : memref<1x8192xf32, #tpu.memory_space<any>>) dst(%dma_wait3A_295 : memref<1x8192xf32, #tpu.memory_space<vmem>>)
    %dma_wait3A_299 = arith.constant 13 : i32
    %dma_wait3A_300 = arith.constant 0 : i32
    %dma_wait3A_301 = tpu.memref_slice %arg4[%dma_wait3A_299, %dma_wait3A_300] : memref<32x8192xf32, #tpu.memory_space<vmem>> -> memref<1x8192xf32, #tpu.memory_space<vmem>>
    %dma_wait3A_302 = arith.constant 0 : i32
    %dma_wait3A_303 = arith.constant 0 : i32
    %dma_wait3A_304 = tpu.memref_slice %arg2[%dma_wait3A_302, %dma_wait3A_303] : memref<8192x8192xf32, #tpu.memory_space<any>> -> memref<1x8192xf32, #tpu.memory_space<any>>
    tpu.wait_dma2 semaphore(%arg5 : memref<!tpu.dma_semaphore, #tpu.memory_space<semaphore_mem>>) src(%dma_wait3A_304 : memref<1x8192xf32, #tpu.memory_space<any>>) dst(%dma_wait3A_301 : memref<1x8192xf32, #tpu.memory_space<vmem>>)
    %dma_wait3A_305 = arith.constant 14 : i32
    %dma_wait3A_306 = arith.constant 0 : i32
    %dma_wait3A_307 = tpu.memref_slice %arg4[%dma_wait3A_305, %dma_wait3A_306] : memref<32x8192xf32, #tpu.memory_space<vmem>> -> memref<1x8192xf32, #tpu.memory_space<vmem>>
    %dma_wait3A_308 = arith.constant 0 : i32
    %dma_wait3A_309 = arith.constant 0 : i32
    %dma_wait3A_310 = tpu.memref_slice %arg2[%dma_wait3A_308, %dma_wait3A_309] : memref<8192x8192xf32, #tpu.memory_space<any>> -> memref<1x8192xf32, #tpu.memory_space<any>>
    tpu.wait_dma2 semaphore(%arg5 : memref<!tpu.dma_semaphore, #tpu.memory_space<semaphore_mem>>) src(%dma_wait3A_310 : memref<1x8192xf32, #tpu.memory_space<any>>) dst(%dma_wait3A_307 : memref<1x8192xf32, #tpu.memory_space<vmem>>)
    %dma_wait3A_311 = arith.constant 15 : i32
    %dma_wait3A_312 = arith.constant 0 : i32
    %dma_wait3A_313 = tpu.memref_slice %arg4[%dma_wait3A_311, %dma_wait3A_312] : memref<32x8192xf32, #tpu.memory_space<vmem>> -> memref<1x8192xf32, #tpu.memory_space<vmem>>
    %dma_wait3A_314 = arith.constant 0 : i32
    %dma_wait3A_315 = arith.constant 0 : i32
    %dma_wait3A_316 = tpu.memref_slice %arg2[%dma_wait3A_314, %dma_wait3A_315] : memref<8192x8192xf32, #tpu.memory_space<any>> -> memref<1x8192xf32, #tpu.memory_space<any>>
    tpu.wait_dma2 semaphore(%arg5 : memref<!tpu.dma_semaphore, #tpu.memory_space<semaphore_mem>>) src(%dma_wait3A_316 : memref<1x8192xf32, #tpu.memory_space<any>>) dst(%dma_wait3A_313 : memref<1x8192xf32, #tpu.memory_space<vmem>>)
    %dma_wait3A_317 = arith.constant 16 : i32
    %dma_wait3A_318 = arith.constant 0 : i32
    %dma_wait3A_319 = tpu.memref_slice %arg4[%dma_wait3A_317, %dma_wait3A_318] : memref<32x8192xf32, #tpu.memory_space<vmem>> -> memref<1x8192xf32, #tpu.memory_space<vmem>>
    %dma_wait3A_320 = arith.constant 0 : i32
    %dma_wait3A_321 = arith.constant 0 : i32
    %dma_wait3A_322 = tpu.memref_slice %arg2[%dma_wait3A_320, %dma_wait3A_321] : memref<8192x8192xf32, #tpu.memory_space<any>> -> memref<1x8192xf32, #tpu.memory_space<any>>
    tpu.wait_dma2 semaphore(%arg5 : memref<!tpu.dma_semaphore, #tpu.memory_space<semaphore_mem>>) src(%dma_wait3A_322 : memref<1x8192xf32, #tpu.memory_space<any>>) dst(%dma_wait3A_319 : memref<1x8192xf32, #tpu.memory_space<vmem>>)
    %dma_wait3A_323 = arith.constant 17 : i32
    %dma_wait3A_324 = arith.constant 0 : i32
    %dma_wait3A_325 = tpu.memref_slice %arg4[%dma_wait3A_323, %dma_wait3A_324] : memref<32x8192xf32, #tpu.memory_space<vmem>> -> memref<1x8192xf32, #tpu.memory_space<vmem>>
    %dma_wait3A_326 = arith.constant 0 : i32
    %dma_wait3A_327 = arith.constant 0 : i32
    %dma_wait3A_328 = tpu.memref_slice %arg2[%dma_wait3A_326, %dma_wait3A_327] : memref<8192x8192xf32, #tpu.memory_space<any>> -> memref<1x8192xf32, #tpu.memory_space<any>>
    tpu.wait_dma2 semaphore(%arg5 : memref<!tpu.dma_semaphore, #tpu.memory_space<semaphore_mem>>) src(%dma_wait3A_328 : memref<1x8192xf32, #tpu.memory_space<any>>) dst(%dma_wait3A_325 : memref<1x8192xf32, #tpu.memory_space<vmem>>)
    %dma_wait3A_329 = arith.constant 18 : i32
    %dma_wait3A_330 = arith.constant 0 : i32
    %dma_wait3A_331 = tpu.memref_slice %arg4[%dma_wait3A_329, %dma_wait3A_330] : memref<32x8192xf32, #tpu.memory_space<vmem>> -> memref<1x8192xf32, #tpu.memory_space<vmem>>
    %dma_wait3A_332 = arith.constant 0 : i32
    %dma_wait3A_333 = arith.constant 0 : i32
    %dma_wait3A_334 = tpu.memref_slice %arg2[%dma_wait3A_332, %dma_wait3A_333] : memref<8192x8192xf32, #tpu.memory_space<any>> -> memref<1x8192xf32, #tpu.memory_space<any>>
    tpu.wait_dma2 semaphore(%arg5 : memref<!tpu.dma_semaphore, #tpu.memory_space<semaphore_mem>>) src(%dma_wait3A_334 : memref<1x8192xf32, #tpu.memory_space<any>>) dst(%dma_wait3A_331 : memref<1x8192xf32, #tpu.memory_space<vmem>>)
    %dma_wait3A_335 = arith.constant 19 : i32
    %dma_wait3A_336 = arith.constant 0 : i32
    %dma_wait3A_337 = tpu.memref_slice %arg4[%dma_wait3A_335, %dma_wait3A_336] : memref<32x8192xf32, #tpu.memory_space<vmem>> -> memref<1x8192xf32, #tpu.memory_space<vmem>>
    %dma_wait3A_338 = arith.constant 0 : i32
    %dma_wait3A_339 = arith.constant 0 : i32
    %dma_wait3A_340 = tpu.memref_slice %arg2[%dma_wait3A_338, %dma_wait3A_339] : memref<8192x8192xf32, #tpu.memory_space<any>> -> memref<1x8192xf32, #tpu.memory_space<any>>
    tpu.wait_dma2 semaphore(%arg5 : memref<!tpu.dma_semaphore, #tpu.memory_space<semaphore_mem>>) src(%dma_wait3A_340 : memref<1x8192xf32, #tpu.memory_space<any>>) dst(%dma_wait3A_337 : memref<1x8192xf32, #tpu.memory_space<vmem>>)
    %dma_wait3A_341 = arith.constant 20 : i32
    %dma_wait3A_342 = arith.constant 0 : i32
    %dma_wait3A_343 = tpu.memref_slice %arg4[%dma_wait3A_341, %dma_wait3A_342] : memref<32x8192xf32, #tpu.memory_space<vmem>> -> memref<1x8192xf32, #tpu.memory_space<vmem>>
    %dma_wait3A_344 = arith.constant 0 : i32
    %dma_wait3A_345 = arith.constant 0 : i32
    %dma_wait3A_346 = tpu.memref_slice %arg2[%dma_wait3A_344, %dma_wait3A_345] : memref<8192x8192xf32, #tpu.memory_space<any>> -> memref<1x8192xf32, #tpu.memory_space<any>>
    tpu.wait_dma2 semaphore(%arg5 : memref<!tpu.dma_semaphore, #tpu.memory_space<semaphore_mem>>) src(%dma_wait3A_346 : memref<1x8192xf32, #tpu.memory_space<any>>) dst(%dma_wait3A_343 : memref<1x8192xf32, #tpu.memory_space<vmem>>)
    %dma_wait3A_347 = arith.constant 21 : i32
    %dma_wait3A_348 = arith.constant 0 : i32
    %dma_wait3A_349 = tpu.memref_slice %arg4[%dma_wait3A_347, %dma_wait3A_348] : memref<32x8192xf32, #tpu.memory_space<vmem>> -> memref<1x8192xf32, #tpu.memory_space<vmem>>
    %dma_wait3A_350 = arith.constant 0 : i32
    %dma_wait3A_351 = arith.constant 0 : i32
    %dma_wait3A_352 = tpu.memref_slice %arg2[%dma_wait3A_350, %dma_wait3A_351] : memref<8192x8192xf32, #tpu.memory_space<any>> -> memref<1x8192xf32, #tpu.memory_space<any>>
    tpu.wait_dma2 semaphore(%arg5 : memref<!tpu.dma_semaphore, #tpu.memory_space<semaphore_mem>>) src(%dma_wait3A_352 : memref<1x8192xf32, #tpu.memory_space<any>>) dst(%dma_wait3A_349 : memref<1x8192xf32, #tpu.memory_space<vmem>>)
    %dma_wait3A_353 = arith.constant 22 : i32
    %dma_wait3A_354 = arith.constant 0 : i32
    %dma_wait3A_355 = tpu.memref_slice %arg4[%dma_wait3A_353, %dma_wait3A_354] : memref<32x8192xf32, #tpu.memory_space<vmem>> -> memref<1x8192xf32, #tpu.memory_space<vmem>>
    %dma_wait3A_356 = arith.constant 0 : i32
    %dma_wait3A_357 = arith.constant 0 : i32
    %dma_wait3A_358 = tpu.memref_slice %arg2[%dma_wait3A_356, %dma_wait3A_357] : memref<8192x8192xf32, #tpu.memory_space<any>> -> memref<1x8192xf32, #tpu.memory_space<any>>
    tpu.wait_dma2 semaphore(%arg5 : memref<!tpu.dma_semaphore, #tpu.memory_space<semaphore_mem>>) src(%dma_wait3A_358 : memref<1x8192xf32, #tpu.memory_space<any>>) dst(%dma_wait3A_355 : memref<1x8192xf32, #tpu.memory_space<vmem>>)
    %dma_wait3A_359 = arith.constant 23 : i32
    %dma_wait3A_360 = arith.constant 0 : i32
    %dma_wait3A_361 = tpu.memref_slice %arg4[%dma_wait3A_359, %dma_wait3A_360] : memref<32x8192xf32, #tpu.memory_space<vmem>> -> memref<1x8192xf32, #tpu.memory_space<vmem>>
    %dma_wait3A_362 = arith.constant 0 : i32
    %dma_wait3A_363 = arith.constant 0 : i32
    %dma_wait3A_364 = tpu.memref_slice %arg2[%dma_wait3A_362, %dma_wait3A_363] : memref<8192x8192xf32, #tpu.memory_space<any>> -> memref<1x8192xf32, #tpu.memory_space<any>>
    tpu.wait_dma2 semaphore(%arg5 : memref<!tpu.dma_semaphore, #tpu.memory_space<semaphore_mem>>) src(%dma_wait3A_364 : memref<1x8192xf32, #tpu.memory_space<any>>) dst(%dma_wait3A_361 : memref<1x8192xf32, #tpu.memory_space<vmem>>)
    %dma_wait3A_365 = arith.constant 24 : i32
    %dma_wait3A_366 = arith.constant 0 : i32
    %dma_wait3A_367 = tpu.memref_slice %arg4[%dma_wait3A_365, %dma_wait3A_366] : memref<32x8192xf32, #tpu.memory_space<vmem>> -> memref<1x8192xf32, #tpu.memory_space<vmem>>
    %dma_wait3A_368 = arith.constant 0 : i32
    %dma_wait3A_369 = arith.constant 0 : i32
    %dma_wait3A_370 = tpu.memref_slice %arg2[%dma_wait3A_368, %dma_wait3A_369] : memref<8192x8192xf32, #tpu.memory_space<any>> -> memref<1x8192xf32, #tpu.memory_space<any>>
    tpu.wait_dma2 semaphore(%arg5 : memref<!tpu.dma_semaphore, #tpu.memory_space<semaphore_mem>>) src(%dma_wait3A_370 : memref<1x8192xf32, #tpu.memory_space<any>>) dst(%dma_wait3A_367 : memref<1x8192xf32, #tpu.memory_space<vmem>>)
    %dma_wait3A_371 = arith.constant 25 : i32
    %dma_wait3A_372 = arith.constant 0 : i32
    %dma_wait3A_373 = tpu.memref_slice %arg4[%dma_wait3A_371, %dma_wait3A_372] : memref<32x8192xf32, #tpu.memory_space<vmem>> -> memref<1x8192xf32, #tpu.memory_space<vmem>>
    %dma_wait3A_374 = arith.constant 0 : i32
    %dma_wait3A_375 = arith.constant 0 : i32
    %dma_wait3A_376 = tpu.memref_slice %arg2[%dma_wait3A_374, %dma_wait3A_375] : memref<8192x8192xf32, #tpu.memory_space<any>> -> memref<1x8192xf32, #tpu.memory_space<any>>
    tpu.wait_dma2 semaphore(%arg5 : memref<!tpu.dma_semaphore, #tpu.memory_space<semaphore_mem>>) src(%dma_wait3A_376 : memref<1x8192xf32, #tpu.memory_space<any>>) dst(%dma_wait3A_373 : memref<1x8192xf32, #tpu.memory_space<vmem>>)
    %dma_wait3A_377 = arith.constant 26 : i32
    %dma_wait3A_378 = arith.constant 0 : i32
    %dma_wait3A_379 = tpu.memref_slice %arg4[%dma_wait3A_377, %dma_wait3A_378] : memref<32x8192xf32, #tpu.memory_space<vmem>> -> memref<1x8192xf32, #tpu.memory_space<vmem>>
    %dma_wait3A_380 = arith.constant 0 : i32
    %dma_wait3A_381 = arith.constant 0 : i32
    %dma_wait3A_382 = tpu.memref_slice %arg2[%dma_wait3A_380, %dma_wait3A_381] : memref<8192x8192xf32, #tpu.memory_space<any>> -> memref<1x8192xf32, #tpu.memory_space<any>>
    tpu.wait_dma2 semaphore(%arg5 : memref<!tpu.dma_semaphore, #tpu.memory_space<semaphore_mem>>) src(%dma_wait3A_382 : memref<1x8192xf32, #tpu.memory_space<any>>) dst(%dma_wait3A_379 : memref<1x8192xf32, #tpu.memory_space<vmem>>)
    %dma_wait3A_383 = arith.constant 27 : i32
    %dma_wait3A_384 = arith.constant 0 : i32
    %dma_wait3A_385 = tpu.memref_slice %arg4[%dma_wait3A_383, %dma_wait3A_384] : memref<32x8192xf32, #tpu.memory_space<vmem>> -> memref<1x8192xf32, #tpu.memory_space<vmem>>
    %dma_wait3A_386 = arith.constant 0 : i32
    %dma_wait3A_387 = arith.constant 0 : i32
    %dma_wait3A_388 = tpu.memref_slice %arg2[%dma_wait3A_386, %dma_wait3A_387] : memref<8192x8192xf32, #tpu.memory_space<any>> -> memref<1x8192xf32, #tpu.memory_space<any>>
    tpu.wait_dma2 semaphore(%arg5 : memref<!tpu.dma_semaphore, #tpu.memory_space<semaphore_mem>>) src(%dma_wait3A_388 : memref<1x8192xf32, #tpu.memory_space<any>>) dst(%dma_wait3A_385 : memref<1x8192xf32, #tpu.memory_space<vmem>>)
    %dma_wait3A_389 = arith.constant 28 : i32
    %dma_wait3A_390 = arith.constant 0 : i32
    %dma_wait3A_391 = tpu.memref_slice %arg4[%dma_wait3A_389, %dma_wait3A_390] : memref<32x8192xf32, #tpu.memory_space<vmem>> -> memref<1x8192xf32, #tpu.memory_space<vmem>>
    %dma_wait3A_392 = arith.constant 0 : i32
    %dma_wait3A_393 = arith.constant 0 : i32
    %dma_wait3A_394 = tpu.memref_slice %arg2[%dma_wait3A_392, %dma_wait3A_393] : memref<8192x8192xf32, #tpu.memory_space<any>> -> memref<1x8192xf32, #tpu.memory_space<any>>
    tpu.wait_dma2 semaphore(%arg5 : memref<!tpu.dma_semaphore, #tpu.memory_space<semaphore_mem>>) src(%dma_wait3A_394 : memref<1x8192xf32, #tpu.memory_space<any>>) dst(%dma_wait3A_391 : memref<1x8192xf32, #tpu.memory_space<vmem>>)
    %dma_wait3A_395 = arith.constant 29 : i32
    %dma_wait3A_396 = arith.constant 0 : i32
    %dma_wait3A_397 = tpu.memref_slice %arg4[%dma_wait3A_395, %dma_wait3A_396] : memref<32x8192xf32, #tpu.memory_space<vmem>> -> memref<1x8192xf32, #tpu.memory_space<vmem>>
    %dma_wait3A_398 = arith.constant 0 : i32
    %dma_wait3A_399 = arith.constant 0 : i32
    %dma_wait3A_400 = tpu.memref_slice %arg2[%dma_wait3A_398, %dma_wait3A_399] : memref<8192x8192xf32, #tpu.memory_space<any>> -> memref<1x8192xf32, #tpu.memory_space<any>>
    tpu.wait_dma2 semaphore(%arg5 : memref<!tpu.dma_semaphore, #tpu.memory_space<semaphore_mem>>) src(%dma_wait3A_400 : memref<1x8192xf32, #tpu.memory_space<any>>) dst(%dma_wait3A_397 : memref<1x8192xf32, #tpu.memory_space<vmem>>)
    %dma_wait3A_401 = arith.constant 30 : i32
    %dma_wait3A_402 = arith.constant 0 : i32
    %dma_wait3A_403 = tpu.memref_slice %arg4[%dma_wait3A_401, %dma_wait3A_402] : memref<32x8192xf32, #tpu.memory_space<vmem>> -> memref<1x8192xf32, #tpu.memory_space<vmem>>
    %dma_wait3A_404 = arith.constant 0 : i32
    %dma_wait3A_405 = arith.constant 0 : i32
    %dma_wait3A_406 = tpu.memref_slice %arg2[%dma_wait3A_404, %dma_wait3A_405] : memref<8192x8192xf32, #tpu.memory_space<any>> -> memref<1x8192xf32, #tpu.memory_space<any>>
    tpu.wait_dma2 semaphore(%arg5 : memref<!tpu.dma_semaphore, #tpu.memory_space<semaphore_mem>>) src(%dma_wait3A_406 : memref<1x8192xf32, #tpu.memory_space<any>>) dst(%dma_wait3A_403 : memref<1x8192xf32, #tpu.memory_space<vmem>>)
    %dma_wait3A_407 = arith.constant 31 : i32
    %dma_wait3A_408 = arith.constant 0 : i32
    %dma_wait3A_409 = tpu.memref_slice %arg4[%dma_wait3A_407, %dma_wait3A_408] : memref<32x8192xf32, #tpu.memory_space<vmem>> -> memref<1x8192xf32, #tpu.memory_space<vmem>>
    %dma_wait3A_410 = arith.constant 0 : i32
    %dma_wait3A_411 = arith.constant 0 : i32
    %dma_wait3A_412 = tpu.memref_slice %arg2[%dma_wait3A_410, %dma_wait3A_411] : memref<8192x8192xf32, #tpu.memory_space<any>> -> memref<1x8192xf32, #tpu.memory_space<any>>
    tpu.wait_dma2 semaphore(%arg5 : memref<!tpu.dma_semaphore, #tpu.memory_space<semaphore_mem>>) src(%dma_wait3A_412 : memref<1x8192xf32, #tpu.memory_space<any>>) dst(%dma_wait3A_409 : memref<1x8192xf32, #tpu.memory_space<vmem>>)
    %get3A_413 = arith.constant 0 : index
    %get3A_414 = arith.constant 0 : index
    %get3A_415 = vector.load %arg4[%get3A_413, %get3A_414] : memref<32x8192xf32, #tpu.memory_space<vmem>>, vector<32x8192xf32>
    %reshape3A = vector.shape_cast %get3A_415 : vector<32x8192xf32> to vector<4x8x8192xf32>
    %reduce_max3A = arith.constant dense<0xFF800000> : vector<4x8xf32>
    %reduce_max3A_416 = vector.multi_reduction <maximumf>, %reshape3A, %reduce_max3A [2] : vector<4x8x8192xf32> to vector<4x8xf32>
    %broadcast_in_dim3A = vector.shape_cast %reduce_max3A_416 : vector<4x8xf32> to vector<4x8x1xf32>
    %sub3A = vector.broadcast %broadcast_in_dim3A : vector<4x8x1xf32> to vector<4x8x8192xf32>
    %sub3A_417 = arith.subf %reshape3A, %sub3A : vector<4x8x8192xf32>
    %exp3A = math.exp %sub3A_417 : vector<4x8x8192xf32>
    %reduce_sum3A = arith.constant dense<0.000000e+00> : vector<4x8xf32>
    %reduce_sum3A_418 = vector.multi_reduction <add>, %exp3A, %reduce_sum3A [2] : vector<4x8x8192xf32> to vector<4x8xf32>
    %broadcast_in_dim3A_419 = vector.shape_cast %reduce_sum3A_418 : vector<4x8xf32> to vector<4x8x1xf32>
    %iota3A = tpu.iota {dimensions = array<i32: 2>} : vector<4x8x8192xi32>
    %get3A_420 = arith.constant 0 : index
    %get3A_421 = arith.constant 0 : index
    %get3A_422 = vector.load %arg1[%get3A_420, %get3A_421] : memref<4x8xi32, #tpu.memory_space<vmem>>, vector<4x8xi32>
    %broadcast_in_dim3A_423 = vector.shape_cast %get3A_422 : vector<4x8xi32> to vector<4x8x1xi32>
    %eq3A = vector.broadcast %broadcast_in_dim3A_423 : vector<4x8x1xi32> to vector<4x8x8192xi32>
    %eq3A_424 = arith.cmpi eq, %iota3A, %eq3A : vector<4x8x8192xi32>
    %jit3A = arith.constant 0.000000e+00 : f32
    %broadcast_in_dim3A_425 = vector.broadcast %jit3A : f32 to vector<4x8x8192xf32>
    %select_n3A = arith.select %eq3A_424, %reshape3A, %broadcast_in_dim3A_425 : vector<4x8x8192xi1>, vector<4x8x8192xf32>
    %reduce_sum3A_426 = arith.constant dense<0.000000e+00> : vector<4x8xf32>
    %reduce_sum3A_427 = vector.multi_reduction <add>, %select_n3A, %reduce_sum3A_426 [2] : vector<4x8x8192xf32> to vector<4x8xf32>
    %broadcast_in_dim3A_428 = vector.shape_cast %reduce_sum3A_427 : vector<4x8xf32> to vector<4x8x1xf32>
    %log3A = math.log %broadcast_in_dim3A_419 : vector<4x8x1xf32>
    %add3A = arith.addf %log3A, %broadcast_in_dim3A : vector<4x8x1xf32>
    %sub3A_429 = arith.subf %add3A, %broadcast_in_dim3A_428 : vector<4x8x1xf32>
    %reduce_sum3A_430 = arith.constant dense<0.000000e+00> : vector<1xf32>
    %reduce_sum3A_431 = vector.multi_reduction <add>, %sub3A_429, %reduce_sum3A_430 [0, 1] : vector<4x8x1xf32> to vector<1xf32>
    %broadcast_in_dim3A_432 = vector.shape_cast %reduce_sum3A_431 : vector<1xf32> to vector<1x1x1xf32>
    %squeeze3A = vector.shape_cast %broadcast_in_dim3A_432 : vector<1x1x1xf32> to vector<1x1xf32>
    %div3A = arith.constant 3.200000e+01 : f32
    %div3A_433 = vector.broadcast %div3A : f32 to vector<1x1xf32>
    %div3A_434 = arith.divf %squeeze3A, %div3A_433 : vector<1x1xf32>
    %swap3A = arith.constant 0 : index
    %swap3A_435 = arith.constant 0 : index
    %swap3A_436 = vector.load %arg3[%swap3A, %swap3A_435] : memref<1x1xf32, #tpu.memory_space<vmem>>, vector<1x1xf32>
    tpu.vector_store %arg3[%swap3A, %swap3A_435], %div3A_434 {strides = array<i32>} : memref<1x1xf32, #tpu.memory_space<vmem>>, vector<1x1xf32>,
    return
  }
}

</mosaic_0001>

<sc_bundles>
// kernel: kernel.4.cloned.1.call-start
scs
__scs_entry_jumppad:
0x0: {  	(pc) =	sbr.rel $0x88, $3  }
0x1: {  	(tag) =	ssettag $0x0;
	lr =	simm.s32 $0x1  }
0x2: {  	[smem:$0x3F9E] =	sst lr;
	_ =	strace $0xD0000000  }
0x3: {  	_ = 	snop  }
0x4: {  	_ = 	snop  }
0x5: {  	_ = 	snop  }
0x6: {  	_ = 	snop  }
0x7: {  	_ = 	snop  }
__scs_overlays_trampoline_lowered:
0x8: {  	[smem:$0x3FAD] =	sst s0  }
0x9: {  	[smem:$0x3FAE] =	sst s1  }
0xa: {  	[smem:$0x3FAF] =	sst s2  }
0xb: {  	[smem:$0x3FB0] =	sst s3  }
0xc: {  	[smem:$0x3FB1] =	sst s4  }
0xd: {  	[smem:$0x3FB2] =	sst s5  }
0xe: {  	[smem:$0x3FB3] =	sst s6  }
0xf: {  	[smem:$0x3FB4] =	sst s7  }
0x10: {  	[smem:$0x3FB5] =	sst s8  }
0x11: {  	[smem:$0x3FB6] =	sst s9;
	s0 =	simm.s32 @!p0 $0x0  }
0x12: {  	s1 =	sld [smem:$0x3F9C];
	s0 =	simm.s32 @p0 $0x1  }
0x13: {  	[smem:$0x3FB7] =	sst s0;
	s0 =	simm.s32 @!p1 $0x0  }
0x14: {  	s2 =	sld [smem:$0x3F9B];
	s0 =	simm.s32 @p1 $0x1  }
0x15: {  	[smem:$0x3FB8] =	sst s0;
	s0 =	simm.s32 @!p2 $0x0  }
0x16: {  	s3 =	sld [smem:$0x3FDB];
	s0 =	simm.s32 @p2 $0x1  }
0x17: {  	s4 =	simm.s32 $0x1BF5;
	[smem:$0x3FBA] =	sst s0  }
0x18: {  	s0 =	sld [smem:$0x3F9D];
	_ =	swait.ge [sflag:s4], $0x0  }
0x19: {  	s7 =	sld [smem:$0x3F9E]  }
0x1a: {  	s8 =	sadd.s32 $0xFFFFE003, lr  }
0x1b: {  	s9 =	sadd.s32 $0xFFFFFEF7, lr;
	s5 =	simm.s32 $0xFFFFFFFF;
	p2 =	slt.u32 s8, $0xFFFFF086  }
0x1c: {  	p1 =	slt.u32 s9, $0xF7A;
	s5 =	simm.s32 @!p2 $0x0  }
0x1d: {  	s5 =	simm.s32 @p1 $0x1;
	p0 =	seq.s32 s7, s2  }
0x1e: {  	s7 =	smul.u32 @!p0 $0xF7A, s2;
	p2 =	seq.s32 @!p0 s5, $0x0  }
0x1f: {  	s9 =	smul.u32 $0xF7A, s1;
	s8 =	simm.s32 @!p0 $0x1BF5;
	p2 =	por !p2, p0  }
0x20: {  	[sflag:s8] =	ssyncset.s32 @!p0 $0xFFFFF086;
	s6 =	sadd.s32 @!p0 s3, s7;
	s7 =	simm.s32 @!p0 $0x108  }
0x21: {  	s3 =	sadd.s32 s3, s9;
	s6 =	sadd.s32 @!p0 $0x88, s6;
	s7 =	simm.s32 @p2 $0x1082  }
0x22: {  	[simem:s7], [sflag:s8] =	dma.local @!p0 [hbm:s6], $0xF7A  }
0x23: {  	s9 =	sor.u32 $0xD0000000, s2;
	s6 =	simm.s32 $0x108;
	_ =	swait.ge @!p0 [sflag:s8], $0x0  }
0x24: {  	s3 =	sadd.s32 $0x88, s3;
	s6 =	simm.s32 @!p1 $0x1082;
	[sflag:s4] =	ssyncset.s32 $0xFFFFF086  }
0x25: {  	[simem:s6], [sflag:s4] =	dma.local [hbm:s3], $0xF7A  }
0x26: {  	[smem:$0x3F9E] =	sst s1;
	(tag) =	ssettag s2;
	_ =	strace s9  }
0x27: {  	s1 =	sld [smem:$0x3FAE]  }
0x28: {  	s2 =	sld [smem:$0x3FAF]  }
0x29: {  	s4 =	sld [smem:$0x3FB1]  }
0x2a: {  	p0 =	seq.s32 s5, $0x0;
	s5 =	sld [smem:$0x3FB2]  }
0x2b: {  	s6 =	sld [smem:$0x3FB3]  }
0x2c: {  	s7 =	sld [smem:$0x3FB4]  }
0x2d: {  	s3 =	simm.s32 $0x108;
	s8 =	sld [smem:$0x3FB5]  }
0x2e: {  	s3 =	simm.s32 @!p0 $0x1082;
	s9 =	sld [smem:$0x3FB6]  }
0x2f: {  	lr =	sadd.s32 s0, s3;
	s0 =	sld [smem:$0x3FAD]  }
0x30: {  	s3 =	sld [smem:$0x3FB0]  }
0x31: {  	[smem:$0x3FB9] =	sst s10  }
0x32: {  	s10 =	sld [smem:$0x3FB7];
	_ =	sdelay $0x3  }
0x33: {  	p0 =	seq.s32 s10, $0x1;
	s10 =	sld [smem:$0x3FB9];
	_ =	sdelay $0x3  }
0x34: {  	[smem:$0x3FB9] =	sst s10  }
0x35: {  	s10 =	sld [smem:$0x3FB8];
	_ =	sdelay $0x3  }
0x36: {  	p1 =	seq.s32 s10, $0x1;
	s10 =	sld [smem:$0x3FB9];
	_ =	sdelay $0x3  }
0x37: {  	[smem:$0x3FB9] =	sst s10  }
0x38: {  	s10 =	sld [smem:$0x3FBA]  }
0x39: {  	_ = 	snop;
	(pc) =	sbr.ind lr, $3  }
0x3a: {  	_ = 	snop  }
0x3b: {  	_ = 	snop  }
0x3c: {  	p2 =	seq.s32 s10, $0x1;
	s10 =	sld [smem:$0x3FB9]  }
0x3d: {  	_ =	shalt  }
0x3e: {  	_ =	shalt  }
0x3f: {  	_ =	shalt  }
0x40: {  	_ =	shalt  }
0x41: {  	_ =	shalt  }
0x42: {  	_ =	shalt  }
0x43: {  	_ =	shalt  }
0x44: {  	_ =	shalt  }
0x45: {  	_ =	shalt  }
0x46: {  	_ =	shalt  }
0x47: {  	_ =	shalt  }
0x48: {  	_ =	shalt  }
0x49: {  	_ =	shalt  }
0x4a: {  	_ =	shalt  }
0x4b: {  	_ =	shalt  }
0x4c: {  	_ =	shalt  }
0x4d: {  	_ =	shalt  }
0x4e: {  	_ =	shalt  }
0x4f: {  	_ =	shalt  }
0x50: {  	_ =	shalt  }
0x51: {  	_ =	shalt  }
0x52: {  	_ =	shalt  }
0x53: {  	_ =	shalt  }
0x54: {  	_ =	shalt  }
0x55: {  	_ =	shalt  }
0x56: {  	_ =	shalt  }
0x57: {  	_ =	shalt  }
0x58: {  	_ =	shalt  }
0x59: {  	_ =	shalt  }
0x5a: {  	_ =	shalt  }
0x5b: {  	_ =	shalt  }
0x5c: {  	_ =	shalt  }
0x5d: {  	_ =	shalt  }
0x5e: {  	_ =	shalt  }
0x5f: {  	_ =	shalt  }
0x60: {  	_ =	shalt  }
0x61: {  	_ =	shalt  }
0x62: {  	_ =	shalt  }
0x63: {  	_ =	shalt  }
0x64: {  	_ =	shalt  }
0x65: {  	_ =	shalt  }
0x66: {  	_ =	shalt  }
0x67: {  	_ =	shalt  }
0x68: {  	_ =	shalt  }
0x69: {  	_ =	shalt  }
0x6a: {  	_ =	shalt  }
0x6b: {  	_ =	shalt  }
0x6c: {  	_ =	shalt  }
0x6d: {  	_ =	shalt  }
0x6e: {  	_ =	shalt  }
0x6f: {  	_ =	shalt  }
0x70: {  	_ =	shalt  }
0x71: {  	_ =	shalt  }
0x72: {  	_ =	shalt  }
0x73: {  	_ =	shalt  }
0x74: {  	_ =	shalt  }
0x75: {  	_ =	shalt  }
0x76: {  	_ =	shalt  }
0x77: {  	_ =	shalt  }
0x78: {  	_ =	shalt  }
0x79: {  	_ =	shalt  }
0x7a: {  	_ =	shalt  }
0x7b: {  	_ =	shalt  }
0x7c: {  	_ =	shalt  }
0x7d: {  	_ =	shalt  }
0x7e: {  	_ =	shalt  }
0x7f: {  	_ =	shalt  }
0x80: {  	_ =	shalt  }
0x81: {  	_ =	shalt  }
0x82: {  	_ =	shalt  }
0x83: {  	_ =	shalt  }
0x84: {  	_ =	shalt  }
0x85: {  	_ =	shalt  }
0x86: {  	_ =	shalt  }
0x87: {  	_ =	shalt  }
.Lfunc_end0:
.L_simem_size_0:
called_computation_lowered:
.L_overlay_start_0:
0x88: {  	s0 =	sld [smem:$0x3FD9]  }
0x89: {  	s1 =	sld [smem:$0x3FFE];
	_ =	sdelay $0x3  }
0x8a: {  	s0 =	sadd.s32 s1, s0  }
0x8b: {  	[smem:$0x3FC5] =	sst s0  }
0x8c: {  	_ = 	snop  }
0x8d: {  	s0 =	sld [smem:$0x3FD0];
	_ =	sdelay $0x2  }
0x8e: {  	s2 =	simm.s32 $0xA;
	s3 =	simm.s32 $0x10;
	s13 =	sld [smem:$0x3FC7]  }
0x8f: {  	[smem:s3], [sflag:s2] =	dma.local [hbm:s0], $0x1  }
0x90: {  	_ =	swait.eq [sflag:s2], $0x1  }
0x91: {  	[sflag:s2] =	ssyncset.done $0x0  }
0x92: {  	[sflag:s2] =	ssyncadd.s32 $0xFFFFFFFF  }
0x93: {  	s14 =	sld [smem:$0x10];
	(tm) =	ssettm $0x1  }
0x94: {  	s15 =	sld [smem:$0x3FFB];
	_ =	sdelay $0x3  }
0x95: {  	_ =	strace s15  }
0x96: {  	s2 =	sld [smem:$0x3FFC];
	_ =	sdelay $0x3  }
0x97: {  	_ =	strace s2  }
0x98: {  	s2 =	sld [smem:$0x3FFD];
	_ =	sdelay $0x3  }
0x99: {  	_ =	strace s2  }
0x9a: {  	_ =	strace $0x8FFFFFFF  }
0x9b: {  	s16 =	sld [smem:$0x3FDB];
	_ =	sdelay $0x1  }
0x9c: {  	s17 =	simm.s32 $_scs_section_size  }
0x9d: {  	s4 =	simm.s32 $_size__tile_overlayer_lowered;
	s5 =	simm.s32 $_tile_overlayer_lowered  }
0x9e: {  	s20 =	simm.s32 $0x1BFF;
	s19 =	sshll.u32 s5, $0x1;
	s2 =	sadd.s32 s17, s16  }
0x9f: {  	s6 =	simm.s32 $0x0;
	s18 =	sshll.u32 s4, $0x1;
	s4 =	sadd.s32 s19, s2  }
0xa0: {  	[timem:s6], [sflag:s20] =	dma.local [hbm:s4], s18  }
0xa1: {  	_ =	swait.ge [sflag:s20], s18  }
0xa2: {  	s3 =	ssub.s32 $0x0, s18;
	[sflag:s20] =	ssyncset.done $0x0  }
0xa3: {  	[sflag:s20] =	ssyncadd.s32 s3;
	_ =	sdelay $0x1  }
0xa4: {  	s21 =	simm.s32 $0x1B8B  }
0xa5: {  	_ =	swait.ge [sflag:s21], $0x1  }
0xa6: {  	[sflag:s21] =	ssyncset.done $0x0  }
0xa7: {  	s23 =	simm.s32 $0x1B8E;
	s22 =	sld [smem:$0x3FFE];
	[sflag:s21] =	ssyncadd.s32 $0xFFFFFFFF  }
0xa8: {  	s24 =	simm.s32 $execute0_lowered;
	[smem:$0x3FD2] =	sst s23  }
0xa9: {  	s4 =	sshll.u32 s24, $0x1;
	_ =	strace $0x80000046;
	[dreg:$0x1] =	wrdreg $0xFFFFFFFF  }
0xaa: {  	s25 =	simm.s32 $_size_execute0_lowered;
	s2 =	sadd.s32 s2, s4;
	[dreg:$0x0] =	wrdreg $0x0  }
0xab: {  	s4 =	sshll.u32 s25, $0x1;
	[dreg:$0x2] =	wrdreg s2  }
0xac: {  	[dreg:$0x3] =	wrdreg s4  }
0xad: {  	[dreg:$0x4] =	wrdreg $0xC0  }
0xae: {  	_ =	task [dreg:s6], $0x5FFFF  }
0xaf: {  	[dreg:$0x1] =	wrdreg $0xFFFFFFFF  }
0xb0: {  	[dreg:$0x0] =	wrdreg $0x60  }
0xb1: {  	[dreg:$0x2] =	wrdreg s13  }
0xb2: {  	[dreg:$0x3] =	wrdreg s22  }
0xb3: {  	[dreg:$0x4] =	wrdreg s14  }
0xb4: {  	[dreg:$0x5] =	wrdreg $0x9  }
0xb5: {  	_ =	task.clear_ibuf [dreg:s6], $0x6FFFF;
	_ =	strace $0x90000046  }
0xb6: {  	s26 =	simm.s32 $0x9;
	_ =	strace $0x80000048  }
0xb7: {  	_ =	swait.ge [sflag:s26], $0x1  }
0xb8: {  	[sflag:s26] =	ssyncadd.s32 $0xFFFFFFFF  }
0xb9: {  	_ =	strace $0x90000048  }
0xba: {  	_ =	sfence  }
0xbb: {  	s28 =	sld [smem:$0x0];
	_ =	sdelay $0x1  }
0xbc: {  	s29 =	srdreg.scid  }
0xbd: {  	s30 =	sshll.u32 s29, $0xD;
	s31 =	sshrl.u32 s29, $0x2  }
0xbe: {  	s1 =	sand.u32 $0x1, s29;
	s2 =	sand.u32 $0x4000, s30;
	s0 =	sadd.s32 s31, s28  }
0xbf: {  	s1 =	sor.u32 s2, s1;
	s0 =	sshll.u32 s0, $0x11  }
0xc0: {  	s0 =	sor.u32 s0, s1  }
0xc1: {  	s0 =	sadd.s32 $0x8F2B, s0  }
0xc2: {  	[sflag:s0] =	ssyncadd.remote.s32 $0x1  }
0xc3: {  	_ =	sfence.sel $0xFFFF  }
0xc4: {  	[dreg:$0x0] =	wrdreg $0xFFFFFFFF;
	(pc) =	sbr.abs _section_cstart, $3  }
0xc5: {  	[dreg:$0x1] =	wrdreg $0xFFFFFFFF  }
0xc6: {  	_ =	task.clear_ibuf [dreg:s6], $0x2FFFF;
	_ =	strace $0x9FFFFFFF  }
0xc7: {  	(tm) =	ssettm $0x7FFFFFFF  }
tec
execute0_lowered:
.L_overlay_start_1:
0x0: {  	(tag) =	ssettag $0x1  }
0x1: {  	s3 =	rddreg [dreg:$0x0]  }
0x2: {  	s4 =	rddreg [dreg:$0x1];
	s1 =	stileid.u32  }
0x3: {  	s2 =	rddreg [dreg:$0x2];
	s6 =	sshll.u32 s1, $0x1  }
0x4: {  	s0 =	rddreg [dreg:$0x3];
	s5 =	simm.s32 $0x0;
	v0 =	vmov s6  }
0x5: {  	s15 =	simm.s32 $0x4;
	[smem:$0x7FF] =	sst s5;
	v0 =	vbroadcast v0, $0x0  }
0x6: {  	s4 =	sadd.s32 $0x800, s4;
	s14 =	sshllo.u32 s1, $0x1;
	_ =	strace $0x80000047  }
0x7: {  	v1 =	vmov s14;
	[tilespmem:s5], [sflag:$0x4] =	stream.linear.gather [hbm4b:s4+s5], $0x80, $0x38;
	[tilespmem:$0x4180] =	vst v63  }
0x8: {  	_ =	swait.ge [sflag:s15], $0x80  }
0x9: {  	[sflag:s15] =	ssyncset.done $0x0  }
0xa: {  	[sflag:s15] =	ssyncadd.s32 $0xFFFFFF80  }
0xb: {  	v2 =	vimm.s32 $0x0;
	v0 =	vld.idx.msk [tilespmem:v0+s5+$0x0], $0xffff  }
0xc: {  	v1 =	vld.idx.msk [tilespmem:v1+s5+$0x0], $0xffff;
	_ =	sdelay $0x2  }
0xd: {  	s16 =	simm.s32 $0x80  }
0xe: {  	s7 =	simm.s32 $0x100;
	[tilespmem:v2+s16+$0x0] =	vst.idx.msk $0x1, v0  }
0xf: {  	[tilespmem:v2+s7+$0x0] =	vst.idx.msk $0x1, v1  }
0x10: {  	v0 =	vld.msk [tilespmem:$0x80], $0x1;
	_ =	sdelay $0x4  }
0x11: {  	v62 =	vshll.u32 v0, $0x6  }
0x12: {  	v0 =	vand.u32 $0x7, v0;
	v1 =	vand.u32 $0xFFFFFE00, v62  }
0x13: {  	v63 =	vlaneseq.u32;
	v0 =	vor.u32 v0, v1  }
0x14: {  	v1 =	vmul.u32 $0x8, v63;
	v0 =	vperm.xlane v0, v2;
	_ =	sdelay $0x1  }
0x15: {  	v0 =	vadd.s32 v1, v0;
	_ =	sdelay $0x3  }
0x16: {  	vm0 =	vmmov $0xffff;
	s17 =	simm.s32 $0x180  }
0x17: {  	[tilespmem:s17], [sflag:$0x1] =	stream.indirect_vreg.gather [hbm4b:s3+s5], $0x80, v0, vm0, $0xb8;
	[tilespmem:$0x4180] =	vst v63  }
0x18: {  	s9 =	simm.s32 $0x980;
	s8 =	sadd.s32 $0x800, s3  }
0x19: {  	[tilespmem:s9], [sflag:$0x1] =	stream.indirect_vreg.gather [hbm4b:s8+s5], $0x80, v0, vm0, $0xb8;
	[tilespmem:$0x4180] =	vst v63  }
0x1a: {  	s10 =	simm.s32 $0x1180;
	s18 =	sadd.s32 $0x1000, s3  }
0x1b: {  	[tilespmem:s10], [sflag:$0x1] =	stream.indirect_vreg.gather [hbm4b:s18+s5], $0x80, v0, vm0, $0xb8;
	[tilespmem:$0x4180] =	vst v63  }
0x1c: {  	s11 =	simm.s32 $0x1980;
	s19 =	sadd.s32 $0x1800, s3  }
0x1d: {  	[tilespmem:s11], [sflag:$0x1] =	stream.indirect_vreg.gather [hbm4b:s19+s5], $0x80, v0, vm0, $0xb8;
	[tilespmem:$0x4180] =	vst v63  }
0x1e: {  	v0 =	vld.msk [tilespmem:$0x100], $0x1;
	_ =	sdelay $0x4  }
0x1f: {  	v3 =	vshll.u32 v0, $0x6  }
0x20: {  	v0 =	vand.u32 $0x7, v0;
	v3 =	vand.u32 $0xFFFFFE00, v3  }
0x21: {  	v0 =	vor.u32 v0, v3  }
0x22: {  	v0 =	vperm.xlane v0, v2;
	_ =	sdelay $0x1  }
0x23: {  	v0 =	vadd.s32 v1, v0;
	_ =	sdelay $0x3  }
0x24: {  	s20 =	simm.s32 $0x2180  }
0x25: {  	[tilespmem:s20], [sflag:$0x2] =	stream.indirect_vreg.gather [hbm4b:s3+s5], $0x80, v0, vm0, $0xb8;
	[tilespmem:$0x4180] =	vst v63  }
0x26: {  	s21 =	simm.s32 $0x2980;
	s22 =	simm.s32 $0x3180  }
0x27: {  	[tilespmem:s21], [sflag:$0x2] =	stream.indirect_vreg.gather [hbm4b:s8+s5], $0x80, v0, vm0, $0xb8;
	[tilespmem:$0x4180] =	vst v63  }
0x28: {  	s25 =	simm.s32 $0x3980;
	s23 =	sshll.u32 s1, $0xE;
	s24 =	sshll.u32 s1, $0x8  }
0x29: {  	[tilespmem:s22], [sflag:$0x2] =	stream.indirect_vreg.gather [hbm4b:s18+s5], $0x80, v0, vm0, $0xb8;
	[tilespmem:$0x4180] =	vst v63  }
0x2a: {  	s28 =	simm.s32 $0x1;
	s29 =	simm.s32 $0x400;
	s8 =	sor.u32 s24, s23  }
0x2b: {  	[tilespmem:s25], [sflag:$0x2] =	stream.indirect_vreg.gather [hbm4b:s19+s5], $0x80, v0, vm0, $0xb8;
	[tilespmem:$0x4180] =	vst v63  }
0x2c: {  	s30 =	simm.s32 $0x2;
	s26 =	sand.u32 $0x30300, s8;
	_ =	swait.ge [sflag:s28], $0x2000  }
0x2d: {  	s6 =	sshll.u32 s14, $0x7;
	s5 =	sshrl.u32 s26, $0x3;
	[sflag:s28] =	ssyncset.done $0x0  }
0x2e: {  	s3 =	sor.u32 s23, s6;
	s5 =	sadd.s32 s2, s5;
	[sflag:s28] =	ssyncadd.s32 $0xFFFFE000  }
0x2f: {  	[hbm4b:s5+s16] =	stream.strided.scatter [tilespmem:s17], [sflag:$0x3], $0x2000, s29, s16, $0x38;
	[tilespmem:$0x4180] =	vst v63  }
0x30: {  	s3 =	sand.u32 $0x30380, s3;
	_ =	swait.ge [sflag:s30], $0x2000  }
0x31: {  	s3 =	sshrl.u32 s3, $0x3;
	[sflag:s30] =	ssyncset.done $0x0  }
0x32: {  	s31 =	simm.s32 $0x3;
	s2 =	sadd.s32 s2, s3;
	[sflag:s30] =	ssyncadd.s32 $0xFFFFE000  }
0x33: {  	[hbm4b:s2+s16] =	stream.strided.scatter [tilespmem:s20], [sflag:$0x3], $0x2000, s29, s16, $0x38;
	[tilespmem:$0x4180] =	vst v63  }
0x34: {  	_ =	swait.ge [sflag:s31], $0x2000  }
0x35: {  	[sflag:s31] =	ssyncset.done $0x0  }
0x36: {  	[sflag:s31] =	ssyncadd.s32 $0xFFFFE000  }
0x37: {  	_ =	swait.ge [sflag:s31], $0x2000  }
0x38: {  	[sflag:s31] =	ssyncset.done $0x0  }
0x39: {  	[sflag:s31] =	ssyncadd.s32 $0xFFFFE000  }
0x3a: {  	_ =	sfence.sel $0x180000  }
0x3b: {  	[bflag:$0x0] =	sbarrier.arrive $0xFFFF  }
0x3c: {  	p0 =	sne.s32 s1, $0x0;
	_ =	strace $0x90000047  }
0x3d: {  	s0 =	sadd.s32 @!p0 $0x100000, s0;
	[bflag:$0x2] =	sbarrier.arrive $0xFFFF  }
0x3e: {  	[sflag:s0] =	ssyncadd.tile.s32 @!p0 $0x1;
	_ =	shalt  }
.Lfunc_end2:
_tile_overlayer_lowered:
.L_overlay_start_2:
0x3f: {  	(tag) =	ssettag $0x2  }
0x40: {  	s0 =	rddreg [dreg:$0x0];
	s2 =	stileid.u32  }
0x41: {  	s1 =	rddreg [dreg:$0x1];
	p0 =	sne.s32 s2, $0x0  }
0x42: {  	s3 =	rddreg [dreg:$0x2];
	[bflag:$0x3] =	sbarrier.arrive $0xFFFF;
	s2 =	simm.s32 @!p0 $0x1C04  }
0x43: {  	[timem:s3], [sflag:s2] =	dma.local @!p0 [hbm:s0], s1  }
0x44: {  	s0 =	simm.s32 @!p0 $0x4  }
0x45: {  	_ =	swait.ge @!p0 [sflag:s0], s1  }
0x46: {  	s1 =	ssub.s32 @!p0 $0x0, s1;
	[sflag:s0] =	ssyncset.done @!p0 $0x0  }
0x47: {  	[sflag:s0] =	ssyncadd.s32 @!p0 s1  }
0x48: {  	[bflag:$0x3] =	sbarrier.arrive $0xFFFF  }
0x49: {  	_ =	shalt  }

</sc_bundles>
